<compile_context>
chip_gen: v7x
topology: tpu7x:2x2x1
jax: 0.10.2.dev20260603
libtpu: 0.0.44.dev20260713+nightly
codegen_flags: <defaults>
</compile_context>

<pallas_src>
import jax
import jax.numpy as jnp
from jax import lax
from jax.experimental import pallas as pl
from jax.experimental.pallas import tpu as pltpu
from jax.experimental.pallas import tpu_sc as plsc

N = 100000
NP = 102400
PR = NP // 8
PRX = N // 8
D = 16
H = 32
E = 1600000
NC = 2
NS = 16
EW = E // (NC * NS)
CHUNK = 400
NCHUNK = EW // CHUNK
IDXB = 5
ROWS_T = NP // NS
BLKP = 512


def _lin1p_body(x_ref, w_ref, b_ref, o_ref):
    o_ref[...] = jnp.maximum(
        jnp.dot(x_ref[...], w_ref[...], preferred_element_type=jnp.float32)
        + b_ref[...], 0.0)


def _lin1p(xp, W1b, b1b):
    return pl.pallas_call(
        _lin1p_body,
        grid=(pl.cdiv(PRX, BLKP),),
        in_specs=[pl.BlockSpec((BLKP, 128), lambda i: (i, 0)),
                  pl.BlockSpec((128, 128), lambda i: (0, 0)),
                  pl.BlockSpec((1, 128), lambda i: (0, 0))],
        out_specs=pl.BlockSpec((BLKP, 128), lambda i: (i, 0)),
        out_shape=jax.ShapeDtypeStruct((PRX, 128), jnp.float32),
    )(xp, W1b, b1b)


def _sc_body(h_hbm, src_hbm, dst_hbm, ones_hbm, z2d_hbm, z1d_hbm,
             sum_out, cnt_out,
             acc_sh, cnt_sh, srcb_v, dstb_v, rows_v0, rows_v1,
             ones_v, cb_v, sem0, sem1):
    c = lax.axis_index("c")
    s = lax.axis_index("s")
    zstart = s * ROWS_T
    pltpu.sync_copy(z2d_hbm, acc_sh.at[pl.ds(zstart, ROWS_T)])
    pltpu.sync_copy(z1d_hbm, cb_v)
    for off, ln in _SUBCHUNKS:
        pltpu.sync_copy(cb_v.at[pl.ds(0, ln)], cnt_sh.at[pl.ds(zstart + off, ln)])
    pltpu.sync_copy(ones_hbm, ones_v)
    plsc.subcore_barrier()

    rows_b = (rows_v0, rows_v1)
    sems = (sem0, sem1)

    def drain(k):
        p = k % 2
        pltpu.make_async_copy(h_hbm.at[srcb_v.at[k]], rows_b[p], sems[p]).wait()
        pltpu.sync_copy(rows_b[p], acc_sh.at[dstb_v.at[k]], add=True)
        pltpu.sync_copy(ones_v, cnt_sh.at[dstb_v.at[k]], add=True)

    def batch(b, carry):
        r0 = (c * NS + s) * NCHUNK + b * IDXB
        pltpu.sync_copy(src_hbm.at[pl.ds(r0, IDXB)], srcb_v)
        pltpu.sync_copy(dst_hbm.at[pl.ds(r0, IDXB)], dstb_v)
        for k in range(IDXB):
            pltpu.async_copy(h_hbm.at[srcb_v.at[k]], rows_b[k % 2], sems[k % 2])
            if k > 0:
                drain(k - 1)
        drain(IDXB - 1)
        return carry

    lax.fori_loop(0, NCHUNK // IDXB, batch, 0)
    plsc.subcore_barrier()
    pltpu.sync_copy(acc_sh.at[pl.ds(zstart, ROWS_T)],
                    sum_out.at[c, pl.ds(zstart, ROWS_T)])
    for off, ln in _SUBCHUNKS:
        pltpu.sync_copy(cnt_sh.at[pl.ds(zstart + off, ln)], cb_v.at[pl.ds(0, ln)])
        pltpu.sync_copy(cb_v.at[pl.ds(0, ln)],
                        cnt_out.at[pl.ds(c * NP + zstart + off, ln)])


CSTAGE = 800
_SUBCHUNKS = tuple((k * CSTAGE, CSTAGE) for k in range(ROWS_T // CSTAGE))


def _sc_aggregate(h_lin, src, dst):
    ones = jnp.ones((CHUNK,), jnp.float32)
    z2d = jnp.zeros((ROWS_T, D), jnp.float32)
    z1d = jnp.zeros((CSTAGE,), jnp.float32)
    mesh = plsc.VectorSubcoreMesh(core_axis_name="c", subcore_axis_name="s")
    f = pl.kernel(
        _sc_body,
        out_type=[jax.ShapeDtypeStruct((NC, NP, D), jnp.float32),
                  jax.ShapeDtypeStruct((NC * NP,), jnp.float32)],
        mesh=mesh,
        scratch_types=[
            pltpu.VMEM_SHARED((NP, D), jnp.float32),
            pltpu.VMEM_SHARED((NP,), jnp.float32),
            pltpu.VMEM((IDXB, CHUNK), jnp.int32),
            pltpu.VMEM((IDXB, CHUNK), jnp.int32),
            pltpu.VMEM((CHUNK, D), jnp.float32),
            pltpu.VMEM((CHUNK, D), jnp.float32),
            pltpu.VMEM((CHUNK,), jnp.float32),
            pltpu.VMEM((CSTAGE,), jnp.float32),
            pltpu.SemaphoreType.DMA,
            pltpu.SemaphoreType.DMA,
        ],
        compiler_params=pltpu.CompilerParams(use_tc_tiling_on_sc=False),
    )
    return f(h_lin, src.reshape(E // CHUNK, CHUNK), dst.reshape(E // CHUNK, CHUNK),
             ones, z2d, z1d)


def _combinep_body(h_ref, sp_ref, d_ref,
                   wl_ref, bl_ref, wr_ref, w2_ref, b2_ref, o_ref):
    agg = (sp_ref[0] + sp_ref[1]) / jnp.maximum(d_ref[...], 1.0)
    h2 = jnp.maximum(
        jnp.dot(agg, wl_ref[...], preferred_element_type=jnp.float32)
        + bl_ref[...]
        + jnp.dot(h_ref[...], wr_ref[...], preferred_element_type=jnp.float32),
        0.0)
    o_ref[...] = (jnp.dot(h2, w2_ref[...], preferred_element_type=jnp.float32)
                  + b2_ref[...])


def _combinep(hp, sp, divp, Wlb, blb, Wrb, W2b, b2b):
    return pl.pallas_call(
        _combinep_body,
        grid=(pl.cdiv(PRX, BLKP),),
        in_specs=[pl.BlockSpec((BLKP, 128), lambda i: (i, 0)),
                  pl.BlockSpec((NC, BLKP, 128), lambda i: (0, i, 0)),
                  pl.BlockSpec((BLKP, 128), lambda i: (i, 0)),
                  pl.BlockSpec((128, 256), lambda i: (0, 0)),
                  pl.BlockSpec((1, 256), lambda i: (0, 0)),
                  pl.BlockSpec((128, 256), lambda i: (0, 0)),
                  pl.BlockSpec((256, 256), lambda i: (0, 0)),
                  pl.BlockSpec((1, 256), lambda i: (0, 0))],
        out_specs=pl.BlockSpec((BLKP, 256), lambda i: (i, 0)),
        out_shape=jax.ShapeDtypeStruct((PRX, 256), jnp.float32),
    )(hp, sp, divp, Wlb, blb, Wrb, W2b, b2b)


def _block_diag8(W):
    a, b = W.shape
    eye = jnp.eye(8, dtype=W.dtype)
    return (eye[:, None, :, None] * W[None, :, None, :]).reshape(8 * a, 8 * b)


def kernel(x, edge_index, W1, b1, Wl, bl, Wr, W2, b2):
    ei = edge_index.astype(jnp.int32)
    src = ei[0]
    dst = ei[1]

    W1b = _block_diag8(W1)
    b1b = jnp.tile(b1, 8).reshape(1, 128)
    Wlb = _block_diag8(Wl)
    blb = jnp.tile(bl, 8).reshape(1, 256)
    Wrb = _block_diag8(Wr)
    W2b = _block_diag8(W2)
    b2b = jnp.tile(b2, 8).reshape(1, 256)

    xp = x.reshape(PRX, 128)
    hp = _lin1p(xp, W1b, b1b)
    summed, cnt = _sc_aggregate(hp.reshape(N, D), src, dst)
    sp = summed.reshape(NC, PR, 128)
    cm = cnt[:N] + cnt[NP:NP + N]
    expand = jnp.kron(jnp.eye(8, dtype=jnp.float32), jnp.ones((1, D), jnp.float32))
    divp = cm.reshape(PRX, 8) @ expand
    outp = _combinep(hp, sp, divp, Wlb, blb, Wrb, W2b, b2b)
    return outp.reshape(N, H)

# --- scband reference (transcript-rebuilt; emitter-appended) ---
"""Pipeline reference for scband-sage-8117488189900 (READ-ONLY COPY).

The authoritative reference and input builder live on the scoring server;
editing this copy changes nothing except your own understanding.
"""

import jax, jax.numpy as jnp
import numpy as np

N_NODES = 100000
N_EDGES = 1600000

def setup_inputs(seed: int = 0) -> dict:
    key = jax.random.key(seed)
    ks = jax.random.split(key, 10)
    x = jax.random.normal(ks[0], (N_NODES, 16), dtype=jnp.float32)
    edge_index = jax.random.randint(ks[1], (2, N_EDGES), 0, N_NODES, dtype=jnp.int64)
    # lin1: Linear(16,16)
    W1 = jax.random.normal(ks[2], (16, 16), dtype=jnp.float32) * (1.0 / np.sqrt(16))
    b1 = jnp.zeros((16,), dtype=jnp.float32)
    # SAGEConv(16,32): lin_l (neighbors, with bias), lin_r (root, no bias)
    Wl = jax.random.normal(ks[3], (16, 32), dtype=jnp.float32) * (1.0 / np.sqrt(16))
    bl = jnp.zeros((32,), dtype=jnp.float32)
    Wr = jax.random.normal(ks[4], (16, 32), dtype=jnp.float32) * (1.0 / np.sqrt(16))
    # lin2: Linear(32,32)
    W2 = jax.random.normal(ks[5], (32, 32), dtype=jnp.float32) * (1.0 / np.sqrt(32))
    b2 = jnp.zeros((32,), dtype=jnp.float32)
    return {"x": x, "edge_index": edge_index, "W1": W1, "b1": b1, "Wl": Wl, "bl": bl, "Wr": Wr, "W2": W2, "b2": b2}

def reference(x, edge_index, W1, b1, Wl, bl, Wr, W2, b2):
    # lin1 + relu
    h = jax.nn.relu(x @ W1 + b1)
    # SAGEConv with mean aggregation: out = lin_l(mean_{j in N(i)} h_j) + lin_r(h_i)
    src = edge_index[0]
    dst = edge_index[1]
    n = h.shape[0]
    msg = jnp.take(h, src, axis=0)
    summed = jax.ops.segment_sum(msg, dst, num_segments=n)
    cnt = jax.ops.segment_sum(jnp.ones((msg.shape[0], 1), dtype=h.dtype), dst, num_segments=n)
    agg = summed / jnp.maximum(cnt, 1.0)
    h2 = jax.nn.relu(agg @ Wl + bl + h @ Wr)
    # lin2
    return h2 @ W2 + b2

if __name__ == "__main__":
    import jax
    _d = setup_inputs()
    print(jax.jit(kernel)(*tuple(_d.values())))

</pallas_src>

<mosaic_0001>
#map = affine_map<(d0, d1) -> (0, 0)>
#map1 = affine_map<(d0, d1) -> (0)>
#map2 = affine_map<(d0, d1) -> (0, 0, 0)>
module attributes {stable_mosaic.version = 14 : i64} {
  func.func @_sc_body(%arg0: i32, %arg1: i32, %arg2: memref<100000x16xf32, #tpu.memory_space<hbm>>, %arg3: memref<4000x400xi32, #tpu.memory_space<hbm>>, %arg4: memref<4000x400xi32, #tpu.memory_space<hbm>>, %arg5: memref<400xf32, #tpu.memory_space<hbm>>, %arg6: memref<6400x16xf32, #tpu.memory_space<hbm>>, %arg7: memref<800xf32, #tpu.memory_space<hbm>>, %arg8: memref<2x102400x16xf32, #tpu.memory_space<hbm>>, %arg9: memref<204800xf32, #tpu.memory_space<hbm>>, %arg10: memref<102400x16xf32, #tpu.memory_space<vmem_shared>>, %arg11: memref<102400xf32, #tpu.memory_space<vmem_shared>>, %arg12: memref<5x400xi32, #tpu.memory_space<vmem>>, %arg13: memref<5x400xi32, #tpu.memory_space<vmem>>, %arg14: memref<400x16xf32, #tpu.memory_space<vmem>>, %arg15: memref<400x16xf32, #tpu.memory_space<vmem>>, %arg16: memref<400xf32, #tpu.memory_space<vmem>>, %arg17: memref<800xf32, #tpu.memory_space<vmem>>, %arg18: memref<!tpu.dma_semaphore, #tpu.memory_space<semaphore_mem>>, %arg19: memref<!tpu.dma_semaphore, #tpu.memory_space<semaphore_mem>>) attributes {dimension_semantics = [#tpu.dimension_semantics<core_parallel>, #tpu.dimension_semantics<subcore_parallel>], iteration_bounds = array<i64: 2, 16>, scalar_prefetch = 0 : i64, scratch_operands = 10 : i64, tpu.core_type = #tpu.core_type<sc_vector_subcore>, window_params = [{transform_indices = #map}, {transform_indices = #map}, {transform_indices = #map}, {transform_indices = #map1}, {transform_indices = #map}, {transform_indices = #map1}, {transform_indices = #map2}, {transform_indices = #map1}]} {
    %mul3A = arith.constant 6400 : i32
    %mul3A_0 = arith.muli %arg1, %mul3A : i32
    "tpu.region"() ({
      %run_scoped3A = tpu.sem_alloc : memref<!tpu.dma_semaphore, #tpu.memory_space<semaphore_mem>>
      %dma_start3A = arith.constant 0 : i32
      %dma_start3A_78 = tpu.memref_slice %arg10[%mul3A_0, %dma_start3A] : memref<102400x16xf32, #tpu.memory_space<vmem_shared>> -> memref<6400x16xf32, #tpu.memory_space<vmem_shared>>
      tpu.enqueue_dma source(%arg6 : memref<6400x16xf32, #tpu.memory_space<hbm>>) target(%dma_start3A_78 : memref<6400x16xf32, #tpu.memory_space<vmem_shared>>) target_semaphore(%run_scoped3A : memref<!tpu.dma_semaphore, #tpu.memory_space<semaphore_mem>>)
      %dma_wait3A = arith.constant 0 : i32
      %dma_wait3A_79 = tpu.memref_slice %arg10[%mul3A_0, %dma_wait3A] : memref<102400x16xf32, #tpu.memory_space<vmem_shared>> -> memref<6400x16xf32, #tpu.memory_space<vmem_shared>>
      tpu.wait_dma2 semaphore(%run_scoped3A : memref<!tpu.dma_semaphore, #tpu.memory_space<semaphore_mem>>) src(%arg6 : memref<6400x16xf32, #tpu.memory_space<hbm>>) dst(%dma_wait3A_79 : memref<6400x16xf32, #tpu.memory_space<vmem_shared>>)
      tpu.yield
    }) : () -> ()
    "tpu.region"() ({
      %run_scoped3A = tpu.sem_alloc : memref<!tpu.dma_semaphore, #tpu.memory_space<semaphore_mem>>
      tpu.enqueue_dma source(%arg7 : memref<800xf32, #tpu.memory_space<hbm>>) target(%arg17 : memref<800xf32, #tpu.memory_space<vmem>>) target_semaphore(%run_scoped3A : memref<!tpu.dma_semaphore, #tpu.memory_space<semaphore_mem>>)
      tpu.wait_dma2 semaphore(%run_scoped3A : memref<!tpu.dma_semaphore, #tpu.memory_space<semaphore_mem>>) src(%arg7 : memref<800xf32, #tpu.memory_space<hbm>>) dst(%arg17 : memref<800xf32, #tpu.memory_space<vmem>>)
      tpu.yield
    }) : () -> ()
    %add3A = arith.constant 0 : i32
    %add3A_1 = arith.addi %mul3A_0, %add3A : i32
    "tpu.region"() ({
      %run_scoped3A = tpu.sem_alloc : memref<!tpu.dma_semaphore, #tpu.memory_space<semaphore_mem>>
      %dma_start3A = arith.constant 0 : i32
      %dma_start3A_78 = tpu.memref_slice %arg17[%dma_start3A] : memref<800xf32, #tpu.memory_space<vmem>> -> memref<800xf32, #tpu.memory_space<vmem>>
      %dma_start3A_79 = tpu.memref_slice %arg11[%add3A_1] : memref<102400xf32, #tpu.memory_space<vmem_shared>> -> memref<800xf32, #tpu.memory_space<vmem_shared>>
      %dma_start3A_80 = tpu.memref_slice %arg11[%add3A_1] : memref<102400xf32, #tpu.memory_space<vmem_shared>> -> memref<800xf32, #tpu.memory_space<vmem_shared>>
      %dma_start3A_81 = arith.constant 0 : i32
      %dma_start3A_82 = tpu.memref_slice %arg17[%dma_start3A_81] : memref<800xf32, #tpu.memory_space<vmem>> -> memref<800xf32, #tpu.memory_space<vmem>>
      tpu.enqueue_dma source(%dma_start3A_82 : memref<800xf32, #tpu.memory_space<vmem>>) target(%dma_start3A_80 : memref<800xf32, #tpu.memory_space<vmem_shared>>) target_semaphore(%run_scoped3A : memref<!tpu.dma_semaphore, #tpu.memory_space<semaphore_mem>>)
      %dma_wait3A = arith.constant 0 : i32
      %dma_wait3A_83 = tpu.memref_slice %arg17[%dma_wait3A] : memref<800xf32, #tpu.memory_space<vmem>> -> memref<800xf32, #tpu.memory_space<vmem>>
      %dma_wait3A_84 = tpu.memref_slice %arg11[%add3A_1] : memref<102400xf32, #tpu.memory_space<vmem_shared>> -> memref<800xf32, #tpu.memory_space<vmem_shared>>
      %dma_wait3A_85 = tpu.memref_slice %arg11[%add3A_1] : memref<102400xf32, #tpu.memory_space<vmem_shared>> -> memref<800xf32, #tpu.memory_space<vmem_shared>>
      %dma_wait3A_86 = arith.constant 0 : i32
      %dma_wait3A_87 = tpu.memref_slice %arg17[%dma_wait3A_86] : memref<800xf32, #tpu.memory_space<vmem>> -> memref<800xf32, #tpu.memory_space<vmem>>
      tpu.wait_dma2 semaphore(%run_scoped3A : memref<!tpu.dma_semaphore, #tpu.memory_space<semaphore_mem>>) src(%dma_wait3A_87 : memref<800xf32, #tpu.memory_space<vmem>>) dst(%dma_wait3A_85 : memref<800xf32, #tpu.memory_space<vmem_shared>>)
      tpu.yield
    }) : () -> ()
    %add3A_2 = arith.constant 800 : i32
    %add3A_3 = arith.addi %mul3A_0, %add3A_2 : i32
    "tpu.region"() ({
      %run_scoped3A = tpu.sem_alloc : memref<!tpu.dma_semaphore, #tpu.memory_space<semaphore_mem>>
      %dma_start3A = arith.constant 0 : i32
      %dma_start3A_78 = tpu.memref_slice %arg17[%dma_start3A] : memref<800xf32, #tpu.memory_space<vmem>> -> memref<800xf32, #tpu.memory_space<vmem>>
      %dma_start3A_79 = tpu.memref_slice %arg11[%add3A_3] : memref<102400xf32, #tpu.memory_space<vmem_shared>> -> memref<800xf32, #tpu.memory_space<vmem_shared>>
      %dma_start3A_80 = tpu.memref_slice %arg11[%add3A_3] : memref<102400xf32, #tpu.memory_space<vmem_shared>> -> memref<800xf32, #tpu.memory_space<vmem_shared>>
      %dma_start3A_81 = arith.constant 0 : i32
      %dma_start3A_82 = tpu.memref_slice %arg17[%dma_start3A_81] : memref<800xf32, #tpu.memory_space<vmem>> -> memref<800xf32, #tpu.memory_space<vmem>>
      tpu.enqueue_dma source(%dma_start3A_82 : memref<800xf32, #tpu.memory_space<vmem>>) target(%dma_start3A_80 : memref<800xf32, #tpu.memory_space<vmem_shared>>) target_semaphore(%run_scoped3A : memref<!tpu.dma_semaphore, #tpu.memory_space<semaphore_mem>>)
      %dma_wait3A = arith.constant 0 : i32
      %dma_wait3A_83 = tpu.memref_slice %arg17[%dma_wait3A] : memref<800xf32, #tpu.memory_space<vmem>> -> memref<800xf32, #tpu.memory_space<vmem>>
      %dma_wait3A_84 = tpu.memref_slice %arg11[%add3A_3] : memref<102400xf32, #tpu.memory_space<vmem_shared>> -> memref<800xf32, #tpu.memory_space<vmem_shared>>
      %dma_wait3A_85 = tpu.memref_slice %arg11[%add3A_3] : memref<102400xf32, #tpu.memory_space<vmem_shared>> -> memref<800xf32, #tpu.memory_space<vmem_shared>>
      %dma_wait3A_86 = arith.constant 0 : i32
      %dma_wait3A_87 = tpu.memref_slice %arg17[%dma_wait3A_86] : memref<800xf32, #tpu.memory_space<vmem>> -> memref<800xf32, #tpu.memory_space<vmem>>
      tpu.wait_dma2 semaphore(%run_scoped3A : memref<!tpu.dma_semaphore, #tpu.memory_space<semaphore_mem>>) src(%dma_wait3A_87 : memref<800xf32, #tpu.memory_space<vmem>>) dst(%dma_wait3A_85 : memref<800xf32, #tpu.memory_space<vmem_shared>>)
      tpu.yield
    }) : () -> ()
    %add3A_4 = arith.constant 1600 : i32
    %add3A_5 = arith.addi %mul3A_0, %add3A_4 : i32
    "tpu.region"() ({
      %run_scoped3A = tpu.sem_alloc : memref<!tpu.dma_semaphore, #tpu.memory_space<semaphore_mem>>
      %dma_start3A = arith.constant 0 : i32
      %dma_start3A_78 = tpu.memref_slice %arg17[%dma_start3A] : memref<800xf32, #tpu.memory_space<vmem>> -> memref<800xf32, #tpu.memory_space<vmem>>
      %dma_start3A_79 = tpu.memref_slice %arg11[%add3A_5] : memref<102400xf32, #tpu.memory_space<vmem_shared>> -> memref<800xf32, #tpu.memory_space<vmem_shared>>
      %dma_start3A_80 = tpu.memref_slice %arg11[%add3A_5] : memref<102400xf32, #tpu.memory_space<vmem_shared>> -> memref<800xf32, #tpu.memory_space<vmem_shared>>
      %dma_start3A_81 = arith.constant 0 : i32
      %dma_start3A_82 = tpu.memref_slice %arg17[%dma_start3A_81] : memref<800xf32, #tpu.memory_space<vmem>> -> memref<800xf32, #tpu.memory_space<vmem>>
      tpu.enqueue_dma source(%dma_start3A_82 : memref<800xf32, #tpu.memory_space<vmem>>) target(%dma_start3A_80 : memref<800xf32, #tpu.memory_space<vmem_shared>>) target_semaphore(%run_scoped3A : memref<!tpu.dma_semaphore, #tpu.memory_space<semaphore_mem>>)
      %dma_wait3A = arith.constant 0 : i32
      %dma_wait3A_83 = tpu.memref_slice %arg17[%dma_wait3A] : memref<800xf32, #tpu.memory_space<vmem>> -> memref<800xf32, #tpu.memory_space<vmem>>
      %dma_wait3A_84 = tpu.memref_slice %arg11[%add3A_5] : memref<102400xf32, #tpu.memory_space<vmem_shared>> -> memref<800xf32, #tpu.memory_space<vmem_shared>>
      %dma_wait3A_85 = tpu.memref_slice %arg11[%add3A_5] : memref<102400xf32, #tpu.memory_space<vmem_shared>> -> memref<800xf32, #tpu.memory_space<vmem_shared>>
      %dma_wait3A_86 = arith.constant 0 : i32
      %dma_wait3A_87 = tpu.memref_slice %arg17[%dma_wait3A_86] : memref<800xf32, #tpu.memory_space<vmem>> -> memref<800xf32, #tpu.memory_space<vmem>>
      tpu.wait_dma2 semaphore(%run_scoped3A : memref<!tpu.dma_semaphore, #tpu.memory_space<semaphore_mem>>) src(%dma_wait3A_87 : memref<800xf32, #tpu.memory_space<vmem>>) dst(%dma_wait3A_85 : memref<800xf32, #tpu.memory_space<vmem_shared>>)
      tpu.yield
    }) : () -> ()
    %add3A_6 = arith.constant 2400 : i32
    %add3A_7 = arith.addi %mul3A_0, %add3A_6 : i32
    "tpu.region"() ({
      %run_scoped3A = tpu.sem_alloc : memref<!tpu.dma_semaphore, #tpu.memory_space<semaphore_mem>>
      %dma_start3A = arith.constant 0 : i32
      %dma_start3A_78 = tpu.memref_slice %arg17[%dma_start3A] : memref<800xf32, #tpu.memory_space<vmem>> -> memref<800xf32, #tpu.memory_space<vmem>>
      %dma_start3A_79 = tpu.memref_slice %arg11[%add3A_7] : memref<102400xf32, #tpu.memory_space<vmem_shared>> -> memref<800xf32, #tpu.memory_space<vmem_shared>>
      %dma_start3A_80 = tpu.memref_slice %arg11[%add3A_7] : memref<102400xf32, #tpu.memory_space<vmem_shared>> -> memref<800xf32, #tpu.memory_space<vmem_shared>>
      %dma_start3A_81 = arith.constant 0 : i32
      %dma_start3A_82 = tpu.memref_slice %arg17[%dma_start3A_81] : memref<800xf32, #tpu.memory_space<vmem>> -> memref<800xf32, #tpu.memory_space<vmem>>
      tpu.enqueue_dma source(%dma_start3A_82 : memref<800xf32, #tpu.memory_space<vmem>>) target(%dma_start3A_80 : memref<800xf32, #tpu.memory_space<vmem_shared>>) target_semaphore(%run_scoped3A : memref<!tpu.dma_semaphore, #tpu.memory_space<semaphore_mem>>)
      %dma_wait3A = arith.constant 0 : i32
      %dma_wait3A_83 = tpu.memref_slice %arg17[%dma_wait3A] : memref<800xf32, #tpu.memory_space<vmem>> -> memref<800xf32, #tpu.memory_space<vmem>>
      %dma_wait3A_84 = tpu.memref_slice %arg11[%add3A_7] : memref<102400xf32, #tpu.memory_space<vmem_shared>> -> memref<800xf32, #tpu.memory_space<vmem_shared>>
      %dma_wait3A_85 = tpu.memref_slice %arg11[%add3A_7] : memref<102400xf32, #tpu.memory_space<vmem_shared>> -> memref<800xf32, #tpu.memory_space<vmem_shared>>
      %dma_wait3A_86 = arith.constant 0 : i32
      %dma_wait3A_87 = tpu.memref_slice %arg17[%dma_wait3A_86] : memref<800xf32, #tpu.memory_space<vmem>> -> memref<800xf32, #tpu.memory_space<vmem>>
      tpu.wait_dma2 semaphore(%run_scoped3A : memref<!tpu.dma_semaphore, #tpu.memory_space<semaphore_mem>>) src(%dma_wait3A_87 : memref<800xf32, #tpu.memory_space<vmem>>) dst(%dma_wait3A_85 : memref<800xf32, #tpu.memory_space<vmem_shared>>)
      tpu.yield
    }) : () -> ()
    %add3A_8 = arith.constant 3200 : i32
    %add3A_9 = arith.addi %mul3A_0, %add3A_8 : i32
    "tpu.region"() ({
      %run_scoped3A = tpu.sem_alloc : memref<!tpu.dma_semaphore, #tpu.memory_space<semaphore_mem>>
      %dma_start3A = arith.constant 0 : i32
      %dma_start3A_78 = tpu.memref_slice %arg17[%dma_start3A] : memref<800xf32, #tpu.memory_space<vmem>> -> memref<800xf32, #tpu.memory_space<vmem>>
      %dma_start3A_79 = tpu.memref_slice %arg11[%add3A_9] : memref<102400xf32, #tpu.memory_space<vmem_shared>> -> memref<800xf32, #tpu.memory_space<vmem_shared>>
      %dma_start3A_80 = tpu.memref_slice %arg11[%add3A_9] : memref<102400xf32, #tpu.memory_space<vmem_shared>> -> memref<800xf32, #tpu.memory_space<vmem_shared>>
      %dma_start3A_81 = arith.constant 0 : i32
      %dma_start3A_82 = tpu.memref_slice %arg17[%dma_start3A_81] : memref<800xf32, #tpu.memory_space<vmem>> -> memref<800xf32, #tpu.memory_space<vmem>>
      tpu.enqueue_dma source(%dma_start3A_82 : memref<800xf32, #tpu.memory_space<vmem>>) target(%dma_start3A_80 : memref<800xf32, #tpu.memory_space<vmem_shared>>) target_semaphore(%run_scoped3A : memref<!tpu.dma_semaphore, #tpu.memory_space<semaphore_mem>>)
      %dma_wait3A = arith.constant 0 : i32
      %dma_wait3A_83 = tpu.memref_slice %arg17[%dma_wait3A] : memref<800xf32, #tpu.memory_space<vmem>> -> memref<800xf32, #tpu.memory_space<vmem>>
      %dma_wait3A_84 = tpu.memref_slice %arg11[%add3A_9] : memref<102400xf32, #tpu.memory_space<vmem_shared>> -> memref<800xf32, #tpu.memory_space<vmem_shared>>
      %dma_wait3A_85 = tpu.memref_slice %arg11[%add3A_9] : memref<102400xf32, #tpu.memory_space<vmem_shared>> -> memref<800xf32, #tpu.memory_space<vmem_shared>>
      %dma_wait3A_86 = arith.constant 0 : i32
      %dma_wait3A_87 = tpu.memref_slice %arg17[%dma_wait3A_86] : memref<800xf32, #tpu.memory_space<vmem>> -> memref<800xf32, #tpu.memory_space<vmem>>
      tpu.wait_dma2 semaphore(%run_scoped3A : memref<!tpu.dma_semaphore, #tpu.memory_space<semaphore_mem>>) src(%dma_wait3A_87 : memref<800xf32, #tpu.memory_space<vmem>>) dst(%dma_wait3A_85 : memref<800xf32, #tpu.memory_space<vmem_shared>>)
      tpu.yield
    }) : () -> ()
    %add3A_10 = arith.constant 4000 : i32
    %add3A_11 = arith.addi %mul3A_0, %add3A_10 : i32
    "tpu.region"() ({
      %run_scoped3A = tpu.sem_alloc : memref<!tpu.dma_semaphore, #tpu.memory_space<semaphore_mem>>
      %dma_start3A = arith.constant 0 : i32
      %dma_start3A_78 = tpu.memref_slice %arg17[%dma_start3A] : memref<800xf32, #tpu.memory_space<vmem>> -> memref<800xf32, #tpu.memory_space<vmem>>
      %dma_start3A_79 = tpu.memref_slice %arg11[%add3A_11] : memref<102400xf32, #tpu.memory_space<vmem_shared>> -> memref<800xf32, #tpu.memory_space<vmem_shared>>
      %dma_start3A_80 = tpu.memref_slice %arg11[%add3A_11] : memref<102400xf32, #tpu.memory_space<vmem_shared>> -> memref<800xf32, #tpu.memory_space<vmem_shared>>
      %dma_start3A_81 = arith.constant 0 : i32
      %dma_start3A_82 = tpu.memref_slice %arg17[%dma_start3A_81] : memref<800xf32, #tpu.memory_space<vmem>> -> memref<800xf32, #tpu.memory_space<vmem>>
      tpu.enqueue_dma source(%dma_start3A_82 : memref<800xf32, #tpu.memory_space<vmem>>) target(%dma_start3A_80 : memref<800xf32, #tpu.memory_space<vmem_shared>>) target_semaphore(%run_scoped3A : memref<!tpu.dma_semaphore, #tpu.memory_space<semaphore_mem>>)
      %dma_wait3A = arith.constant 0 : i32
      %dma_wait3A_83 = tpu.memref_slice %arg17[%dma_wait3A] : memref<800xf32, #tpu.memory_space<vmem>> -> memref<800xf32, #tpu.memory_space<vmem>>
      %dma_wait3A_84 = tpu.memref_slice %arg11[%add3A_11] : memref<102400xf32, #tpu.memory_space<vmem_shared>> -> memref<800xf32, #tpu.memory_space<vmem_shared>>
      %dma_wait3A_85 = tpu.memref_slice %arg11[%add3A_11] : memref<102400xf32, #tpu.memory_space<vmem_shared>> -> memref<800xf32, #tpu.memory_space<vmem_shared>>
      %dma_wait3A_86 = arith.constant 0 : i32
      %dma_wait3A_87 = tpu.memref_slice %arg17[%dma_wait3A_86] : memref<800xf32, #tpu.memory_space<vmem>> -> memref<800xf32, #tpu.memory_space<vmem>>
      tpu.wait_dma2 semaphore(%run_scoped3A : memref<!tpu.dma_semaphore, #tpu.memory_space<semaphore_mem>>) src(%dma_wait3A_87 : memref<800xf32, #tpu.memory_space<vmem>>) dst(%dma_wait3A_85 : memref<800xf32, #tpu.memory_space<vmem_shared>>)
      tpu.yield
    }) : () -> ()
    %add3A_12 = arith.constant 4800 : i32
    %add3A_13 = arith.addi %mul3A_0, %add3A_12 : i32
    "tpu.region"() ({
      %run_scoped3A = tpu.sem_alloc : memref<!tpu.dma_semaphore, #tpu.memory_space<semaphore_mem>>
      %dma_start3A = arith.constant 0 : i32
      %dma_start3A_78 = tpu.memref_slice %arg17[%dma_start3A] : memref<800xf32, #tpu.memory_space<vmem>> -> memref<800xf32, #tpu.memory_space<vmem>>
      %dma_start3A_79 = tpu.memref_slice %arg11[%add3A_13] : memref<102400xf32, #tpu.memory_space<vmem_shared>> -> memref<800xf32, #tpu.memory_space<vmem_shared>>
      %dma_start3A_80 = tpu.memref_slice %arg11[%add3A_13] : memref<102400xf32, #tpu.memory_space<vmem_shared>> -> memref<800xf32, #tpu.memory_space<vmem_shared>>
      %dma_start3A_81 = arith.constant 0 : i32
      %dma_start3A_82 = tpu.memref_slice %arg17[%dma_start3A_81] : memref<800xf32, #tpu.memory_space<vmem>> -> memref<800xf32, #tpu.memory_space<vmem>>
      tpu.enqueue_dma source(%dma_start3A_82 : memref<800xf32, #tpu.memory_space<vmem>>) target(%dma_start3A_80 : memref<800xf32, #tpu.memory_space<vmem_shared>>) target_semaphore(%run_scoped3A : memref<!tpu.dma_semaphore, #tpu.memory_space<semaphore_mem>>)
      %dma_wait3A = arith.constant 0 : i32
      %dma_wait3A_83 = tpu.memref_slice %arg17[%dma_wait3A] : memref<800xf32, #tpu.memory_space<vmem>> -> memref<800xf32, #tpu.memory_space<vmem>>
      %dma_wait3A_84 = tpu.memref_slice %arg11[%add3A_13] : memref<102400xf32, #tpu.memory_space<vmem_shared>> -> memref<800xf32, #tpu.memory_space<vmem_shared>>
      %dma_wait3A_85 = tpu.memref_slice %arg11[%add3A_13] : memref<102400xf32, #tpu.memory_space<vmem_shared>> -> memref<800xf32, #tpu.memory_space<vmem_shared>>
      %dma_wait3A_86 = arith.constant 0 : i32
      %dma_wait3A_87 = tpu.memref_slice %arg17[%dma_wait3A_86] : memref<800xf32, #tpu.memory_space<vmem>> -> memref<800xf32, #tpu.memory_space<vmem>>
      tpu.wait_dma2 semaphore(%run_scoped3A : memref<!tpu.dma_semaphore, #tpu.memory_space<semaphore_mem>>) src(%dma_wait3A_87 : memref<800xf32, #tpu.memory_space<vmem>>) dst(%dma_wait3A_85 : memref<800xf32, #tpu.memory_space<vmem_shared>>)
      tpu.yield
    }) : () -> ()
    %add3A_14 = arith.constant 5600 : i32
    %add3A_15 = arith.addi %mul3A_0, %add3A_14 : i32
    "tpu.region"() ({
      %run_scoped3A = tpu.sem_alloc : memref<!tpu.dma_semaphore, #tpu.memory_space<semaphore_mem>>
      %dma_start3A = arith.constant 0 : i32
      %dma_start3A_78 = tpu.memref_slice %arg17[%dma_start3A] : memref<800xf32, #tpu.memory_space<vmem>> -> memref<800xf32, #tpu.memory_space<vmem>>
      %dma_start3A_79 = tpu.memref_slice %arg11[%add3A_15] : memref<102400xf32, #tpu.memory_space<vmem_shared>> -> memref<800xf32, #tpu.memory_space<vmem_shared>>
      %dma_start3A_80 = tpu.memref_slice %arg11[%add3A_15] : memref<102400xf32, #tpu.memory_space<vmem_shared>> -> memref<800xf32, #tpu.memory_space<vmem_shared>>
      %dma_start3A_81 = arith.constant 0 : i32
      %dma_start3A_82 = tpu.memref_slice %arg17[%dma_start3A_81] : memref<800xf32, #tpu.memory_space<vmem>> -> memref<800xf32, #tpu.memory_space<vmem>>
      tpu.enqueue_dma source(%dma_start3A_82 : memref<800xf32, #tpu.memory_space<vmem>>) target(%dma_start3A_80 : memref<800xf32, #tpu.memory_space<vmem_shared>>) target_semaphore(%run_scoped3A : memref<!tpu.dma_semaphore, #tpu.memory_space<semaphore_mem>>)
      %dma_wait3A = arith.constant 0 : i32
      %dma_wait3A_83 = tpu.memref_slice %arg17[%dma_wait3A] : memref<800xf32, #tpu.memory_space<vmem>> -> memref<800xf32, #tpu.memory_space<vmem>>
      %dma_wait3A_84 = tpu.memref_slice %arg11[%add3A_15] : memref<102400xf32, #tpu.memory_space<vmem_shared>> -> memref<800xf32, #tpu.memory_space<vmem_shared>>
      %dma_wait3A_85 = tpu.memref_slice %arg11[%add3A_15] : memref<102400xf32, #tpu.memory_space<vmem_shared>> -> memref<800xf32, #tpu.memory_space<vmem_shared>>
      %dma_wait3A_86 = arith.constant 0 : i32
      %dma_wait3A_87 = tpu.memref_slice %arg17[%dma_wait3A_86] : memref<800xf32, #tpu.memory_space<vmem>> -> memref<800xf32, #tpu.memory_space<vmem>>
      tpu.wait_dma2 semaphore(%run_scoped3A : memref<!tpu.dma_semaphore, #tpu.memory_space<semaphore_mem>>) src(%dma_wait3A_87 : memref<800xf32, #tpu.memory_space<vmem>>) dst(%dma_wait3A_85 : memref<800xf32, #tpu.memory_space<vmem_shared>>)
      tpu.yield
    }) : () -> ()
    "tpu.region"() ({
      %run_scoped3A = tpu.sem_alloc : memref<!tpu.dma_semaphore, #tpu.memory_space<semaphore_mem>>
      tpu.enqueue_dma source(%arg5 : memref<400xf32, #tpu.memory_space<hbm>>) target(%arg16 : memref<400xf32, #tpu.memory_space<vmem>>) target_semaphore(%run_scoped3A : memref<!tpu.dma_semaphore, #tpu.memory_space<semaphore_mem>>)
      tpu.wait_dma2 semaphore(%run_scoped3A : memref<!tpu.dma_semaphore, #tpu.memory_space<semaphore_mem>>) src(%arg5 : memref<400xf32, #tpu.memory_space<hbm>>) dst(%arg16 : memref<400xf32, #tpu.memory_space<vmem>>)
      tpu.yield
    }) : () -> ()
    %barrier3A = arith.constant 0 : index
    tpu.barrier barrier_id(%barrier3A)
    %scan3A = arith.constant 0 : i32
    %scan3A_16 = arith.constant 0 : i32
    %scan3A_17 = arith.constant 25 : i32
    %scan3A_18 = arith.addi %scan3A_16, %scan3A_17 : i32
    %scan3A_19 = arith.constant 1 : i32
    scf.for %scan3A_78 = %scan3A_16 to %scan3A_18 step %scan3A_19  : i32 {
      %mul3A_79 = arith.constant 16 : i32
      %mul3A_80 = arith.muli %arg0, %mul3A_79 : i32
      %add3A_81 = arith.addi %mul3A_80, %arg1 : i32
      %mul3A_82 = arith.constant 125 : i32
      %mul3A_83 = arith.muli %add3A_81, %mul3A_82 : i32
      %mul3A_84 = arith.constant 5 : i32
      %mul3A_85 = arith.muli %scan3A_78, %mul3A_84 : i32
      %add3A_86 = arith.addi %mul3A_83, %mul3A_85 : i32
      "tpu.region"() ({
        %run_scoped3A_164 = tpu.sem_alloc : memref<!tpu.dma_semaphore, #tpu.memory_space<semaphore_mem>>
        %dma_start3A_165 = arith.constant 0 : i32
        %dma_start3A_166 = tpu.memref_slice %arg3[%add3A_86, %dma_start3A_165] : memref<4000x400xi32, #tpu.memory_space<hbm>> -> memref<5x400xi32, #tpu.memory_space<hbm>>
        %dma_start3A_167 = arith.constant 0 : i32
        %dma_start3A_168 = tpu.memref_slice %arg3[%add3A_86, %dma_start3A_167] : memref<4000x400xi32, #tpu.memory_space<hbm>> -> memref<5x400xi32, #tpu.memory_space<hbm>>
        tpu.enqueue_dma source(%dma_start3A_168 : memref<5x400xi32, #tpu.memory_space<hbm>>) target(%arg12 : memref<5x400xi32, #tpu.memory_space<vmem>>) target_semaphore(%run_scoped3A_164 : memref<!tpu.dma_semaphore, #tpu.memory_space<semaphore_mem>>)
        %dma_wait3A_169 = arith.constant 0 : i32
        %dma_wait3A_170 = tpu.memref_slice %arg3[%add3A_86, %dma_wait3A_169] : memref<4000x400xi32, #tpu.memory_space<hbm>> -> memref<5x400xi32, #tpu.memory_space<hbm>>
        %dma_wait3A_171 = arith.constant 0 : i32
        %dma_wait3A_172 = tpu.memref_slice %arg3[%add3A_86, %dma_wait3A_171] : memref<4000x400xi32, #tpu.memory_space<hbm>> -> memref<5x400xi32, #tpu.memory_space<hbm>>
        tpu.wait_dma2 semaphore(%run_scoped3A_164 : memref<!tpu.dma_semaphore, #tpu.memory_space<semaphore_mem>>) src(%dma_wait3A_172 : memref<5x400xi32, #tpu.memory_space<hbm>>) dst(%arg12 : memref<5x400xi32, #tpu.memory_space<vmem>>)
        tpu.yield
      }) : () -> ()
      "tpu.region"() ({
        %run_scoped3A_164 = tpu.sem_alloc : memref<!tpu.dma_semaphore, #tpu.memory_space<semaphore_mem>>
        %dma_start3A_165 = arith.constant 0 : i32
        %dma_start3A_166 = tpu.memref_slice %arg4[%add3A_86, %dma_start3A_165] : memref<4000x400xi32, #tpu.memory_space<hbm>> -> memref<5x400xi32, #tpu.memory_space<hbm>>
        %dma_start3A_167 = arith.constant 0 : i32
        %dma_start3A_168 = tpu.memref_slice %arg4[%add3A_86, %dma_start3A_167] : memref<4000x400xi32, #tpu.memory_space<hbm>> -> memref<5x400xi32, #tpu.memory_space<hbm>>
        tpu.enqueue_dma source(%dma_start3A_168 : memref<5x400xi32, #tpu.memory_space<hbm>>) target(%arg13 : memref<5x400xi32, #tpu.memory_space<vmem>>) target_semaphore(%run_scoped3A_164 : memref<!tpu.dma_semaphore, #tpu.memory_space<semaphore_mem>>)
        %dma_wait3A_169 = arith.constant 0 : i32
        %dma_wait3A_170 = tpu.memref_slice %arg4[%add3A_86, %dma_wait3A_169] : memref<4000x400xi32, #tpu.memory_space<hbm>> -> memref<5x400xi32, #tpu.memory_space<hbm>>
        %dma_wait3A_171 = arith.constant 0 : i32
        %dma_wait3A_172 = tpu.memref_slice %arg4[%add3A_86, %dma_wait3A_171] : memref<4000x400xi32, #tpu.memory_space<hbm>> -> memref<5x400xi32, #tpu.memory_space<hbm>>
        tpu.wait_dma2 semaphore(%run_scoped3A_164 : memref<!tpu.dma_semaphore, #tpu.memory_space<semaphore_mem>>) src(%dma_wait3A_172 : memref<5x400xi32, #tpu.memory_space<hbm>>) dst(%arg13 : memref<5x400xi32, #tpu.memory_space<vmem>>)
        tpu.yield
      }) : () -> ()
      %dma_start3A = arith.constant 0 : i32
      %dma_start3A_87 = arith.constant 0 : i32
      %dma_start3A_88 = tpu.memref_slice %arg12[%dma_start3A, %dma_start3A_87] : memref<5x400xi32, #tpu.memory_space<vmem>> -> memref<1x400xi32, #tpu.memory_space<vmem>>
      %dma_start3A_89 = tpu.memref_squeeze %dma_start3A_88 : memref<1x400xi32, #tpu.memory_space<vmem>> -> memref<400xi32, #tpu.memory_space<vmem>>
      %dma_start3A_90 = arith.constant 0 : i32
      %dma_start3A_91 = arith.constant 0 : i32
      %dma_start3A_92 = tpu.memref_slice %arg2[%dma_start3A_90, %dma_start3A_91] : memref<100000x16xf32, #tpu.memory_space<hbm>> -> memref<100000x16xf32, #tpu.memory_space<hbm>>
      tpu.enqueue_indirect_dma source(%dma_start3A_92 : memref<100000x16xf32, #tpu.memory_space<hbm>>) target(%arg14 : memref<400x16xf32, #tpu.memory_space<vmem>>) offsets(%dma_start3A_89 : memref<400xi32, #tpu.memory_space<vmem>>) semaphore(%arg18 : memref<!tpu.dma_semaphore, #tpu.memory_space<semaphore_mem>>)
      %dma_start3A_93 = arith.constant 1 : i32
      %dma_start3A_94 = arith.constant 0 : i32
      %dma_start3A_95 = tpu.memref_slice %arg12[%dma_start3A_93, %dma_start3A_94] : memref<5x400xi32, #tpu.memory_space<vmem>> -> memref<1x400xi32, #tpu.memory_space<vmem>>
      %dma_start3A_96 = tpu.memref_squeeze %dma_start3A_95 : memref<1x400xi32, #tpu.memory_space<vmem>> -> memref<400xi32, #tpu.memory_space<vmem>>
      %dma_start3A_97 = arith.constant 0 : i32
      %dma_start3A_98 = arith.constant 0 : i32
      %dma_start3A_99 = tpu.memref_slice %arg2[%dma_start3A_97, %dma_start3A_98] : memref<100000x16xf32, #tpu.memory_space<hbm>> -> memref<100000x16xf32, #tpu.memory_space<hbm>>
      tpu.enqueue_indirect_dma source(%dma_start3A_99 : memref<100000x16xf32, #tpu.memory_space<hbm>>) target(%arg15 : memref<400x16xf32, #tpu.memory_space<vmem>>) offsets(%dma_start3A_96 : memref<400xi32, #tpu.memory_space<vmem>>) semaphore(%arg19 : memref<!tpu.dma_semaphore, #tpu.memory_space<semaphore_mem>>)
      %dma_wait3A = arith.constant 0 : i32
      %dma_wait3A_100 = arith.constant 0 : i32
      %dma_wait3A_101 = tpu.memref_slice %arg12[%dma_wait3A, %dma_wait3A_100] : memref<5x400xi32, #tpu.memory_space<vmem>> -> memref<1x400xi32, #tpu.memory_space<vmem>>
      %dma_wait3A_102 = tpu.memref_squeeze %dma_wait3A_101 : memref<1x400xi32, #tpu.memory_space<vmem>> -> memref<400xi32, #tpu.memory_space<vmem>>
      %dma_wait3A_103 = arith.constant 0 : i32
      %dma_wait3A_104 = arith.constant 0 : i32
      %dma_wait3A_105 = tpu.memref_slice %arg2[%dma_wait3A_103, %dma_wait3A_104] : memref<100000x16xf32, #tpu.memory_space<hbm>> -> memref<100000x16xf32, #tpu.memory_space<hbm>>
      tpu.wait_indirect_dma semaphore(%arg18 : memref<!tpu.dma_semaphore, #tpu.memory_space<semaphore_mem>>) src(%dma_wait3A_105 : memref<100000x16xf32, #tpu.memory_space<hbm>>) dst(%arg14 : memref<400x16xf32, #tpu.memory_space<vmem>>)
      %run_scoped3A = arith.constant 0 : i32
      "tpu.region"() ({
        %run_scoped3A_164 = tpu.sem_alloc : memref<!tpu.dma_semaphore, #tpu.memory_space<semaphore_mem>>
        %dma_start3A_165 = arith.constant 0 : i32
        %dma_start3A_166 = tpu.memref_slice %arg13[%run_scoped3A, %dma_start3A_165] : memref<5x400xi32, #tpu.memory_space<vmem>> -> memref<1x400xi32, #tpu.memory_space<vmem>>
        %dma_start3A_167 = tpu.memref_squeeze %dma_start3A_166 : memref<1x400xi32, #tpu.memory_space<vmem>> -> memref<400xi32, #tpu.memory_space<vmem>>
        %dma_start3A_168 = arith.constant 0 : i32
        %dma_start3A_169 = arith.constant 0 : i32
        %dma_start3A_170 = tpu.memref_slice %arg10[%dma_start3A_168, %dma_start3A_169] : memref<102400x16xf32, #tpu.memory_space<vmem_shared>> -> memref<102400x16xf32, #tpu.memory_space<vmem_shared>>
        tpu.enqueue_indirect_dma source(%arg14 : memref<400x16xf32, #tpu.memory_space<vmem>>) target(%dma_start3A_170 : memref<102400x16xf32, #tpu.memory_space<vmem_shared>>) offsets(%dma_start3A_167 : memref<400xi32, #tpu.memory_space<vmem>>) semaphore(%run_scoped3A_164 : memref<!tpu.dma_semaphore, #tpu.memory_space<semaphore_mem>>) {add = true}
        %dma_wait3A_171 = arith.constant 0 : i32
        %dma_wait3A_172 = tpu.memref_slice %arg13[%run_scoped3A, %dma_wait3A_171] : memref<5x400xi32, #tpu.memory_space<vmem>> -> memref<1x400xi32, #tpu.memory_space<vmem>>
        %dma_wait3A_173 = tpu.memref_squeeze %dma_wait3A_172 : memref<1x400xi32, #tpu.memory_space<vmem>> -> memref<400xi32, #tpu.memory_space<vmem>>
        %dma_wait3A_174 = arith.constant 0 : i32
        %dma_wait3A_175 = arith.constant 0 : i32
        %dma_wait3A_176 = tpu.memref_slice %arg10[%dma_wait3A_174, %dma_wait3A_175] : memref<102400x16xf32, #tpu.memory_space<vmem_shared>> -> memref<102400x16xf32, #tpu.memory_space<vmem_shared>>
        tpu.wait_indirect_dma semaphore(%run_scoped3A_164 : memref<!tpu.dma_semaphore, #tpu.memory_space<semaphore_mem>>) src(%arg14 : memref<400x16xf32, #tpu.memory_space<vmem>>) dst(%dma_wait3A_176 : memref<102400x16xf32, #tpu.memory_space<vmem_shared>>)
        tpu.yield
      }) : () -> ()
      %run_scoped3A_106 = arith.constant 0 : i32
      "tpu.region"() ({
        %run_scoped3A_164 = tpu.sem_alloc : memref<!tpu.dma_semaphore, #tpu.memory_space<semaphore_mem>>
        %dma_start3A_165 = arith.constant 0 : i32
        %dma_start3A_166 = tpu.memref_slice %arg13[%run_scoped3A_106, %dma_start3A_165] : memref<5x400xi32, #tpu.memory_space<vmem>> -> memref<1x400xi32, #tpu.memory_space<vmem>>
        %dma_start3A_167 = tpu.memref_squeeze %dma_start3A_166 : memref<1x400xi32, #tpu.memory_space<vmem>> -> memref<400xi32, #tpu.memory_space<vmem>>
        %dma_start3A_168 = arith.constant 0 : i32
        %dma_start3A_169 = tpu.memref_slice %arg11[%dma_start3A_168] : memref<102400xf32, #tpu.memory_space<vmem_shared>> -> memref<102400xf32, #tpu.memory_space<vmem_shared>>
        tpu.enqueue_indirect_dma source(%arg16 : memref<400xf32, #tpu.memory_space<vmem>>) target(%dma_start3A_169 : memref<102400xf32, #tpu.memory_space<vmem_shared>>) offsets(%dma_start3A_167 : memref<400xi32, #tpu.memory_space<vmem>>) semaphore(%run_scoped3A_164 : memref<!tpu.dma_semaphore, #tpu.memory_space<semaphore_mem>>) {add = true}
        %dma_wait3A_170 = arith.constant 0 : i32
        %dma_wait3A_171 = tpu.memref_slice %arg13[%run_scoped3A_106, %dma_wait3A_170] : memref<5x400xi32, #tpu.memory_space<vmem>> -> memref<1x400xi32, #tpu.memory_space<vmem>>
        %dma_wait3A_172 = tpu.memref_squeeze %dma_wait3A_171 : memref<1x400xi32, #tpu.memory_space<vmem>> -> memref<400xi32, #tpu.memory_space<vmem>>
        %dma_wait3A_173 = arith.constant 0 : i32
        %dma_wait3A_174 = tpu.memref_slice %arg11[%dma_wait3A_173] : memref<102400xf32, #tpu.memory_space<vmem_shared>> -> memref<102400xf32, #tpu.memory_space<vmem_shared>>
        tpu.wait_indirect_dma semaphore(%run_scoped3A_164 : memref<!tpu.dma_semaphore, #tpu.memory_space<semaphore_mem>>) src(%arg16 : memref<400xf32, #tpu.memory_space<vmem>>) dst(%dma_wait3A_174 : memref<102400xf32, #tpu.memory_space<vmem_shared>>)
        tpu.yield
      }) : () -> ()
      %dma_start3A_107 = arith.constant 2 : i32
      %dma_start3A_108 = arith.constant 0 : i32
      %dma_start3A_109 = tpu.memref_slice %arg12[%dma_start3A_107, %dma_start3A_108] : memref<5x400xi32, #tpu.memory_space<vmem>> -> memref<1x400xi32, #tpu.memory_space<vmem>>
      %dma_start3A_110 = tpu.memref_squeeze %dma_start3A_109 : memref<1x400xi32, #tpu.memory_space<vmem>> -> memref<400xi32, #tpu.memory_space<vmem>>
      %dma_start3A_111 = arith.constant 0 : i32
      %dma_start3A_112 = arith.constant 0 : i32
      %dma_start3A_113 = tpu.memref_slice %arg2[%dma_start3A_111, %dma_start3A_112] : memref<100000x16xf32, #tpu.memory_space<hbm>> -> memref<100000x16xf32, #tpu.memory_space<hbm>>
      tpu.enqueue_indirect_dma source(%dma_start3A_113 : memref<100000x16xf32, #tpu.memory_space<hbm>>) target(%arg14 : memref<400x16xf32, #tpu.memory_space<vmem>>) offsets(%dma_start3A_110 : memref<400xi32, #tpu.memory_space<vmem>>) semaphore(%arg18 : memref<!tpu.dma_semaphore, #tpu.memory_space<semaphore_mem>>)
      %dma_wait3A_114 = arith.constant 1 : i32
      %dma_wait3A_115 = arith.constant 0 : i32
      %dma_wait3A_116 = tpu.memref_slice %arg12[%dma_wait3A_114, %dma_wait3A_115] : memref<5x400xi32, #tpu.memory_space<vmem>> -> memref<1x400xi32, #tpu.memory_space<vmem>>
      %dma_wait3A_117 = tpu.memref_squeeze %dma_wait3A_116 : memref<1x400xi32, #tpu.memory_space<vmem>> -> memref<400xi32, #tpu.memory_space<vmem>>
      %dma_wait3A_118 = arith.constant 0 : i32
      %dma_wait3A_119 = arith.constant 0 : i32
      %dma_wait3A_120 = tpu.memref_slice %arg2[%dma_wait3A_118, %dma_wait3A_119] : memref<100000x16xf32, #tpu.memory_space<hbm>> -> memref<100000x16xf32, #tpu.memory_space<hbm>>
      tpu.wait_indirect_dma semaphore(%arg19 : memref<!tpu.dma_semaphore, #tpu.memory_space<semaphore_mem>>) src(%dma_wait3A_120 : memref<100000x16xf32, #tpu.memory_space<hbm>>) dst(%arg15 : memref<400x16xf32, #tpu.memory_space<vmem>>)
      %run_scoped3A_121 = arith.constant 1 : i32
      "tpu.region"() ({
        %run_scoped3A_164 = tpu.sem_alloc : memref<!tpu.dma_semaphore, #tpu.memory_space<semaphore_mem>>
        %dma_start3A_165 = arith.constant 0 : i32
        %dma_start3A_166 = tpu.memref_slice %arg13[%run_scoped3A_121, %dma_start3A_165] : memref<5x400xi32, #tpu.memory_space<vmem>> -> memref<1x400xi32, #tpu.memory_space<vmem>>
        %dma_start3A_167 = tpu.memref_squeeze %dma_start3A_166 : memref<1x400xi32, #tpu.memory_space<vmem>> -> memref<400xi32, #tpu.memory_space<vmem>>
        %dma_start3A_168 = arith.constant 0 : i32
        %dma_start3A_169 = arith.constant 0 : i32
        %dma_start3A_170 = tpu.memref_slice %arg10[%dma_start3A_168, %dma_start3A_169] : memref<102400x16xf32, #tpu.memory_space<vmem_shared>> -> memref<102400x16xf32, #tpu.memory_space<vmem_shared>>
        tpu.enqueue_indirect_dma source(%arg15 : memref<400x16xf32, #tpu.memory_space<vmem>>) target(%dma_start3A_170 : memref<102400x16xf32, #tpu.memory_space<vmem_shared>>) offsets(%dma_start3A_167 : memref<400xi32, #tpu.memory_space<vmem>>) semaphore(%run_scoped3A_164 : memref<!tpu.dma_semaphore, #tpu.memory_space<semaphore_mem>>) {add = true}
        %dma_wait3A_171 = arith.constant 0 : i32
        %dma_wait3A_172 = tpu.memref_slice %arg13[%run_scoped3A_121, %dma_wait3A_171] : memref<5x400xi32, #tpu.memory_space<vmem>> -> memref<1x400xi32, #tpu.memory_space<vmem>>
        %dma_wait3A_173 = tpu.memref_squeeze %dma_wait3A_172 : memref<1x400xi32, #tpu.memory_space<vmem>> -> memref<400xi32, #tpu.memory_space<vmem>>
        %dma_wait3A_174 = arith.constant 0 : i32
        %dma_wait3A_175 = arith.constant 0 : i32
        %dma_wait3A_176 = tpu.memref_slice %arg10[%dma_wait3A_174, %dma_wait3A_175] : memref<102400x16xf32, #tpu.memory_space<vmem_shared>> -> memref<102400x16xf32, #tpu.memory_space<vmem_shared>>
        tpu.wait_indirect_dma semaphore(%run_scoped3A_164 : memref<!tpu.dma_semaphore, #tpu.memory_space<semaphore_mem>>) src(%arg15 : memref<400x16xf32, #tpu.memory_space<vmem>>) dst(%dma_wait3A_176 : memref<102400x16xf32, #tpu.memory_space<vmem_shared>>)
        tpu.yield
      }) : () -> ()
      %run_scoped3A_122 = arith.constant 1 : i32
      "tpu.region"() ({
        %run_scoped3A_164 = tpu.sem_alloc : memref<!tpu.dma_semaphore, #tpu.memory_space<semaphore_mem>>
        %dma_start3A_165 = arith.constant 0 : i32
        %dma_start3A_166 = tpu.memref_slice %arg13[%run_scoped3A_122, %dma_start3A_165] : memref<5x400xi32, #tpu.memory_space<vmem>> -> memref<1x400xi32, #tpu.memory_space<vmem>>
        %dma_start3A_167 = tpu.memref_squeeze %dma_start3A_166 : memref<1x400xi32, #tpu.memory_space<vmem>> -> memref<400xi32, #tpu.memory_space<vmem>>
        %dma_start3A_168 = arith.constant 0 : i32
        %dma_start3A_169 = tpu.memref_slice %arg11[%dma_start3A_168] : memref<102400xf32, #tpu.memory_space<vmem_shared>> -> memref<102400xf32, #tpu.memory_space<vmem_shared>>
        tpu.enqueue_indirect_dma source(%arg16 : memref<400xf32, #tpu.memory_space<vmem>>) target(%dma_start3A_169 : memref<102400xf32, #tpu.memory_space<vmem_shared>>) offsets(%dma_start3A_167 : memref<400xi32, #tpu.memory_space<vmem>>) semaphore(%run_scoped3A_164 : memref<!tpu.dma_semaphore, #tpu.memory_space<semaphore_mem>>) {add = true}
        %dma_wait3A_170 = arith.constant 0 : i32
        %dma_wait3A_171 = tpu.memref_slice %arg13[%run_scoped3A_122, %dma_wait3A_170] : memref<5x400xi32, #tpu.memory_space<vmem>> -> memref<1x400xi32, #tpu.memory_space<vmem>>
        %dma_wait3A_172 = tpu.memref_squeeze %dma_wait3A_171 : memref<1x400xi32, #tpu.memory_space<vmem>> -> memref<400xi32, #tpu.memory_space<vmem>>
        %dma_wait3A_173 = arith.constant 0 : i32
        %dma_wait3A_174 = tpu.memref_slice %arg11[%dma_wait3A_173] : memref<102400xf32, #tpu.memory_space<vmem_shared>> -> memref<102400xf32, #tpu.memory_space<vmem_shared>>
        tpu.wait_indirect_dma semaphore(%run_scoped3A_164 : memref<!tpu.dma_semaphore, #tpu.memory_space<semaphore_mem>>) src(%arg16 : memref<400xf32, #tpu.memory_space<vmem>>) dst(%dma_wait3A_174 : memref<102400xf32, #tpu.memory_space<vmem_shared>>)
        tpu.yield
      }) : () -> ()
      %dma_start3A_123 = arith.constant 3 : i32
      %dma_start3A_124 = arith.constant 0 : i32
      %dma_start3A_125 = tpu.memref_slice %arg12[%dma_start3A_123, %dma_start3A_124] : memref<5x400xi32, #tpu.memory_space<vmem>> -> memref<1x400xi32, #tpu.memory_space<vmem>>
      %dma_start3A_126 = tpu.memref_squeeze %dma_start3A_125 : memref<1x400xi32, #tpu.memory_space<vmem>> -> memref<400xi32, #tpu.memory_space<vmem>>
      %dma_start3A_127 = arith.constant 0 : i32
      %dma_start3A_128 = arith.constant 0 : i32
      %dma_start3A_129 = tpu.memref_slice %arg2[%dma_start3A_127, %dma_start3A_128] : memref<100000x16xf32, #tpu.memory_space<hbm>> -> memref<100000x16xf32, #tpu.memory_space<hbm>>
      tpu.enqueue_indirect_dma source(%dma_start3A_129 : memref<100000x16xf32, #tpu.memory_space<hbm>>) target(%arg15 : memref<400x16xf32, #tpu.memory_space<vmem>>) offsets(%dma_start3A_126 : memref<400xi32, #tpu.memory_space<vmem>>) semaphore(%arg19 : memref<!tpu.dma_semaphore, #tpu.memory_space<semaphore_mem>>)
      %dma_wait3A_130 = arith.constant 2 : i32
      %dma_wait3A_131 = arith.constant 0 : i32
      %dma_wait3A_132 = tpu.memref_slice %arg12[%dma_wait3A_130, %dma_wait3A_131] : memref<5x400xi32, #tpu.memory_space<vmem>> -> memref<1x400xi32, #tpu.memory_space<vmem>>
      %dma_wait3A_133 = tpu.memref_squeeze %dma_wait3A_132 : memref<1x400xi32, #tpu.memory_space<vmem>> -> memref<400xi32, #tpu.memory_space<vmem>>
      %dma_wait3A_134 = arith.constant 0 : i32
      %dma_wait3A_135 = arith.constant 0 : i32
      %dma_wait3A_136 = tpu.memref_slice %arg2[%dma_wait3A_134, %dma_wait3A_135] : memref<100000x16xf32, #tpu.memory_space<hbm>> -> memref<100000x16xf32, #tpu.memory_space<hbm>>
      tpu.wait_indirect_dma semaphore(%arg18 : memref<!tpu.dma_semaphore, #tpu.memory_space<semaphore_mem>>) src(%dma_wait3A_136 : memref<100000x16xf32, #tpu.memory_space<hbm>>) dst(%arg14 : memref<400x16xf32, #tpu.memory_space<vmem>>)
      %run_scoped3A_137 = arith.constant 2 : i32
      "tpu.region"() ({
        %run_scoped3A_164 = tpu.sem_alloc : memref<!tpu.dma_semaphore, #tpu.memory_space<semaphore_mem>>
        %dma_start3A_165 = arith.constant 0 : i32
        %dma_start3A_166 = tpu.memref_slice %arg13[%run_scoped3A_137, %dma_start3A_165] : memref<5x400xi32, #tpu.memory_space<vmem>> -> memref<1x400xi32, #tpu.memory_space<vmem>>
        %dma_start3A_167 = tpu.memref_squeeze %dma_start3A_166 : memref<1x400xi32, #tpu.memory_space<vmem>> -> memref<400xi32, #tpu.memory_space<vmem>>
        %dma_start3A_168 = arith.constant 0 : i32
        %dma_start3A_169 = arith.constant 0 : i32
        %dma_start3A_170 = tpu.memref_slice %arg10[%dma_start3A_168, %dma_start3A_169] : memref<102400x16xf32, #tpu.memory_space<vmem_shared>> -> memref<102400x16xf32, #tpu.memory_space<vmem_shared>>
        tpu.enqueue_indirect_dma source(%arg14 : memref<400x16xf32, #tpu.memory_space<vmem>>) target(%dma_start3A_170 : memref<102400x16xf32, #tpu.memory_space<vmem_shared>>) offsets(%dma_start3A_167 : memref<400xi32, #tpu.memory_space<vmem>>) semaphore(%run_scoped3A_164 : memref<!tpu.dma_semaphore, #tpu.memory_space<semaphore_mem>>) {add = true}
        %dma_wait3A_171 = arith.constant 0 : i32
        %dma_wait3A_172 = tpu.memref_slice %arg13[%run_scoped3A_137, %dma_wait3A_171] : memref<5x400xi32, #tpu.memory_space<vmem>> -> memref<1x400xi32, #tpu.memory_space<vmem>>
        %dma_wait3A_173 = tpu.memref_squeeze %dma_wait3A_172 : memref<1x400xi32, #tpu.memory_space<vmem>> -> memref<400xi32, #tpu.memory_space<vmem>>
        %dma_wait3A_174 = arith.constant 0 : i32
        %dma_wait3A_175 = arith.constant 0 : i32
        %dma_wait3A_176 = tpu.memref_slice %arg10[%dma_wait3A_174, %dma_wait3A_175] : memref<102400x16xf32, #tpu.memory_space<vmem_shared>> -> memref<102400x16xf32, #tpu.memory_space<vmem_shared>>
        tpu.wait_indirect_dma semaphore(%run_scoped3A_164 : memref<!tpu.dma_semaphore, #tpu.memory_space<semaphore_mem>>) src(%arg14 : memref<400x16xf32, #tpu.memory_space<vmem>>) dst(%dma_wait3A_176 : memref<102400x16xf32, #tpu.memory_space<vmem_shared>>)
        tpu.yield
      }) : () -> ()
      %run_scoped3A_138 = arith.constant 2 : i32
      "tpu.region"() ({
        %run_scoped3A_164 = tpu.sem_alloc : memref<!tpu.dma_semaphore, #tpu.memory_space<semaphore_mem>>
        %dma_start3A_165 = arith.constant 0 : i32
        %dma_start3A_166 = tpu.memref_slice %arg13[%run_scoped3A_138, %dma_start3A_165] : memref<5x400xi32, #tpu.memory_space<vmem>> -> memref<1x400xi32, #tpu.memory_space<vmem>>
        %dma_start3A_167 = tpu.memref_squeeze %dma_start3A_166 : memref<1x400xi32, #tpu.memory_space<vmem>> -> memref<400xi32, #tpu.memory_space<vmem>>
        %dma_start3A_168 = arith.constant 0 : i32
        %dma_start3A_169 = tpu.memref_slice %arg11[%dma_start3A_168] : memref<102400xf32, #tpu.memory_space<vmem_shared>> -> memref<102400xf32, #tpu.memory_space<vmem_shared>>
        tpu.enqueue_indirect_dma source(%arg16 : memref<400xf32, #tpu.memory_space<vmem>>) target(%dma_start3A_169 : memref<102400xf32, #tpu.memory_space<vmem_shared>>) offsets(%dma_start3A_167 : memref<400xi32, #tpu.memory_space<vmem>>) semaphore(%run_scoped3A_164 : memref<!tpu.dma_semaphore, #tpu.memory_space<semaphore_mem>>) {add = true}
        %dma_wait3A_170 = arith.constant 0 : i32
        %dma_wait3A_171 = tpu.memref_slice %arg13[%run_scoped3A_138, %dma_wait3A_170] : memref<5x400xi32, #tpu.memory_space<vmem>> -> memref<1x400xi32, #tpu.memory_space<vmem>>
        %dma_wait3A_172 = tpu.memref_squeeze %dma_wait3A_171 : memref<1x400xi32, #tpu.memory_space<vmem>> -> memref<400xi32, #tpu.memory_space<vmem>>
        %dma_wait3A_173 = arith.constant 0 : i32
        %dma_wait3A_174 = tpu.memref_slice %arg11[%dma_wait3A_173] : memref<102400xf32, #tpu.memory_space<vmem_shared>> -> memref<102400xf32, #tpu.memory_space<vmem_shared>>
        tpu.wait_indirect_dma semaphore(%run_scoped3A_164 : memref<!tpu.dma_semaphore, #tpu.memory_space<semaphore_mem>>) src(%arg16 : memref<400xf32, #tpu.memory_space<vmem>>) dst(%dma_wait3A_174 : memref<102400xf32, #tpu.memory_space<vmem_shared>>)
        tpu.yield
      }) : () -> ()
      %dma_start3A_139 = arith.constant 4 : i32
      %dma_start3A_140 = arith.constant 0 : i32
      %dma_start3A_141 = tpu.memref_slice %arg12[%dma_start3A_139, %dma_start3A_140] : memref<5x400xi32, #tpu.memory_space<vmem>> -> memref<1x400xi32, #tpu.memory_space<vmem>>
      %dma_start3A_142 = tpu.memref_squeeze %dma_start3A_141 : memref<1x400xi32, #tpu.memory_space<vmem>> -> memref<400xi32, #tpu.memory_space<vmem>>
      %dma_start3A_143 = arith.constant 0 : i32
      %dma_start3A_144 = arith.constant 0 : i32
      %dma_start3A_145 = tpu.memref_slice %arg2[%dma_start3A_143, %dma_start3A_144] : memref<100000x16xf32, #tpu.memory_space<hbm>> -> memref<100000x16xf32, #tpu.memory_space<hbm>>
      tpu.enqueue_indirect_dma source(%dma_start3A_145 : memref<100000x16xf32, #tpu.memory_space<hbm>>) target(%arg14 : memref<400x16xf32, #tpu.memory_space<vmem>>) offsets(%dma_start3A_142 : memref<400xi32, #tpu.memory_space<vmem>>) semaphore(%arg18 : memref<!tpu.dma_semaphore, #tpu.memory_space<semaphore_mem>>)
      %dma_wait3A_146 = arith.constant 3 : i32
      %dma_wait3A_147 = arith.constant 0 : i32
      %dma_wait3A_148 = tpu.memref_slice %arg12[%dma_wait3A_146, %dma_wait3A_147] : memref<5x400xi32, #tpu.memory_space<vmem>> -> memref<1x400xi32, #tpu.memory_space<vmem>>
      %dma_wait3A_149 = tpu.memref_squeeze %dma_wait3A_148 : memref<1x400xi32, #tpu.memory_space<vmem>> -> memref<400xi32, #tpu.memory_space<vmem>>
      %dma_wait3A_150 = arith.constant 0 : i32
      %dma_wait3A_151 = arith.constant 0 : i32
      %dma_wait3A_152 = tpu.memref_slice %arg2[%dma_wait3A_150, %dma_wait3A_151] : memref<100000x16xf32, #tpu.memory_space<hbm>> -> memref<100000x16xf32, #tpu.memory_space<hbm>>
      tpu.wait_indirect_dma semaphore(%arg19 : memref<!tpu.dma_semaphore, #tpu.memory_space<semaphore_mem>>) src(%dma_wait3A_152 : memref<100000x16xf32, #tpu.memory_space<hbm>>) dst(%arg15 : memref<400x16xf32, #tpu.memory_space<vmem>>)
      %run_scoped3A_153 = arith.constant 3 : i32
      "tpu.region"() ({
        %run_scoped3A_164 = tpu.sem_alloc : memref<!tpu.dma_semaphore, #tpu.memory_space<semaphore_mem>>
        %dma_start3A_165 = arith.constant 0 : i32
        %dma_start3A_166 = tpu.memref_slice %arg13[%run_scoped3A_153, %dma_start3A_165] : memref<5x400xi32, #tpu.memory_space<vmem>> -> memref<1x400xi32, #tpu.memory_space<vmem>>
        %dma_start3A_167 = tpu.memref_squeeze %dma_start3A_166 : memref<1x400xi32, #tpu.memory_space<vmem>> -> memref<400xi32, #tpu.memory_space<vmem>>
        %dma_start3A_168 = arith.constant 0 : i32
        %dma_start3A_169 = arith.constant 0 : i32
        %dma_start3A_170 = tpu.memref_slice %arg10[%dma_start3A_168, %dma_start3A_169] : memref<102400x16xf32, #tpu.memory_space<vmem_shared>> -> memref<102400x16xf32, #tpu.memory_space<vmem_shared>>
        tpu.enqueue_indirect_dma source(%arg15 : memref<400x16xf32, #tpu.memory_space<vmem>>) target(%dma_start3A_170 : memref<102400x16xf32, #tpu.memory_space<vmem_shared>>) offsets(%dma_start3A_167 : memref<400xi32, #tpu.memory_space<vmem>>) semaphore(%run_scoped3A_164 : memref<!tpu.dma_semaphore, #tpu.memory_space<semaphore_mem>>) {add = true}
        %dma_wait3A_171 = arith.constant 0 : i32
        %dma_wait3A_172 = tpu.memref_slice %arg13[%run_scoped3A_153, %dma_wait3A_171] : memref<5x400xi32, #tpu.memory_space<vmem>> -> memref<1x400xi32, #tpu.memory_space<vmem>>
        %dma_wait3A_173 = tpu.memref_squeeze %dma_wait3A_172 : memref<1x400xi32, #tpu.memory_space<vmem>> -> memref<400xi32, #tpu.memory_space<vmem>>
        %dma_wait3A_174 = arith.constant 0 : i32
        %dma_wait3A_175 = arith.constant 0 : i32
        %dma_wait3A_176 = tpu.memref_slice %arg10[%dma_wait3A_174, %dma_wait3A_175] : memref<102400x16xf32, #tpu.memory_space<vmem_shared>> -> memref<102400x16xf32, #tpu.memory_space<vmem_shared>>
        tpu.wait_indirect_dma semaphore(%run_scoped3A_164 : memref<!tpu.dma_semaphore, #tpu.memory_space<semaphore_mem>>) src(%arg15 : memref<400x16xf32, #tpu.memory_space<vmem>>) dst(%dma_wait3A_176 : memref<102400x16xf32, #tpu.memory_space<vmem_shared>>)
        tpu.yield
      }) : () -> ()
      %run_scoped3A_154 = arith.constant 3 : i32
      "tpu.region"() ({
        %run_scoped3A_164 = tpu.sem_alloc : memref<!tpu.dma_semaphore, #tpu.memory_space<semaphore_mem>>
        %dma_start3A_165 = arith.constant 0 : i32
        %dma_start3A_166 = tpu.memref_slice %arg13[%run_scoped3A_154, %dma_start3A_165] : memref<5x400xi32, #tpu.memory_space<vmem>> -> memref<1x400xi32, #tpu.memory_space<vmem>>
        %dma_start3A_167 = tpu.memref_squeeze %dma_start3A_166 : memref<1x400xi32, #tpu.memory_space<vmem>> -> memref<400xi32, #tpu.memory_space<vmem>>
        %dma_start3A_168 = arith.constant 0 : i32
        %dma_start3A_169 = tpu.memref_slice %arg11[%dma_start3A_168] : memref<102400xf32, #tpu.memory_space<vmem_shared>> -> memref<102400xf32, #tpu.memory_space<vmem_shared>>
        tpu.enqueue_indirect_dma source(%arg16 : memref<400xf32, #tpu.memory_space<vmem>>) target(%dma_start3A_169 : memref<102400xf32, #tpu.memory_space<vmem_shared>>) offsets(%dma_start3A_167 : memref<400xi32, #tpu.memory_space<vmem>>) semaphore(%run_scoped3A_164 : memref<!tpu.dma_semaphore, #tpu.memory_space<semaphore_mem>>) {add = true}
        %dma_wait3A_170 = arith.constant 0 : i32
        %dma_wait3A_171 = tpu.memref_slice %arg13[%run_scoped3A_154, %dma_wait3A_170] : memref<5x400xi32, #tpu.memory_space<vmem>> -> memref<1x400xi32, #tpu.memory_space<vmem>>
        %dma_wait3A_172 = tpu.memref_squeeze %dma_wait3A_171 : memref<1x400xi32, #tpu.memory_space<vmem>> -> memref<400xi32, #tpu.memory_space<vmem>>
        %dma_wait3A_173 = arith.constant 0 : i32
        %dma_wait3A_174 = tpu.memref_slice %arg11[%dma_wait3A_173] : memref<102400xf32, #tpu.memory_space<vmem_shared>> -> memref<102400xf32, #tpu.memory_space<vmem_shared>>
        tpu.wait_indirect_dma semaphore(%run_scoped3A_164 : memref<!tpu.dma_semaphore, #tpu.memory_space<semaphore_mem>>) src(%arg16 : memref<400xf32, #tpu.memory_space<vmem>>) dst(%dma_wait3A_174 : memref<102400xf32, #tpu.memory_space<vmem_shared>>)
        tpu.yield
      }) : () -> ()
      %dma_wait3A_155 = arith.constant 4 : i32
      %dma_wait3A_156 = arith.constant 0 : i32
      %dma_wait3A_157 = tpu.memref_slice %arg12[%dma_wait3A_155, %dma_wait3A_156] : memref<5x400xi32, #tpu.memory_space<vmem>> -> memref<1x400xi32, #tpu.memory_space<vmem>>
      %dma_wait3A_158 = tpu.memref_squeeze %dma_wait3A_157 : memref<1x400xi32, #tpu.memory_space<vmem>> -> memref<400xi32, #tpu.memory_space<vmem>>
      %dma_wait3A_159 = arith.constant 0 : i32
      %dma_wait3A_160 = arith.constant 0 : i32
      %dma_wait3A_161 = tpu.memref_slice %arg2[%dma_wait3A_159, %dma_wait3A_160] : memref<100000x16xf32, #tpu.memory_space<hbm>> -> memref<100000x16xf32, #tpu.memory_space<hbm>>
      tpu.wait_indirect_dma semaphore(%arg18 : memref<!tpu.dma_semaphore, #tpu.memory_space<semaphore_mem>>) src(%dma_wait3A_161 : memref<100000x16xf32, #tpu.memory_space<hbm>>) dst(%arg14 : memref<400x16xf32, #tpu.memory_space<vmem>>)
      %run_scoped3A_162 = arith.constant 4 : i32
      "tpu.region"() ({
        %run_scoped3A_164 = tpu.sem_alloc : memref<!tpu.dma_semaphore, #tpu.memory_space<semaphore_mem>>
        %dma_start3A_165 = arith.constant 0 : i32
        %dma_start3A_166 = tpu.memref_slice %arg13[%run_scoped3A_162, %dma_start3A_165] : memref<5x400xi32, #tpu.memory_space<vmem>> -> memref<1x400xi32, #tpu.memory_space<vmem>>
        %dma_start3A_167 = tpu.memref_squeeze %dma_start3A_166 : memref<1x400xi32, #tpu.memory_space<vmem>> -> memref<400xi32, #tpu.memory_space<vmem>>
        %dma_start3A_168 = arith.constant 0 : i32
        %dma_start3A_169 = arith.constant 0 : i32
        %dma_start3A_170 = tpu.memref_slice %arg10[%dma_start3A_168, %dma_start3A_169] : memref<102400x16xf32, #tpu.memory_space<vmem_shared>> -> memref<102400x16xf32, #tpu.memory_space<vmem_shared>>
        tpu.enqueue_indirect_dma source(%arg14 : memref<400x16xf32, #tpu.memory_space<vmem>>) target(%dma_start3A_170 : memref<102400x16xf32, #tpu.memory_space<vmem_shared>>) offsets(%dma_start3A_167 : memref<400xi32, #tpu.memory_space<vmem>>) semaphore(%run_scoped3A_164 : memref<!tpu.dma_semaphore, #tpu.memory_space<semaphore_mem>>) {add = true}
        %dma_wait3A_171 = arith.constant 0 : i32
        %dma_wait3A_172 = tpu.memref_slice %arg13[%run_scoped3A_162, %dma_wait3A_171] : memref<5x400xi32, #tpu.memory_space<vmem>> -> memref<1x400xi32, #tpu.memory_space<vmem>>
        %dma_wait3A_173 = tpu.memref_squeeze %dma_wait3A_172 : memref<1x400xi32, #tpu.memory_space<vmem>> -> memref<400xi32, #tpu.memory_space<vmem>>
        %dma_wait3A_174 = arith.constant 0 : i32
        %dma_wait3A_175 = arith.constant 0 : i32
        %dma_wait3A_176 = tpu.memref_slice %arg10[%dma_wait3A_174, %dma_wait3A_175] : memref<102400x16xf32, #tpu.memory_space<vmem_shared>> -> memref<102400x16xf32, #tpu.memory_space<vmem_shared>>
        tpu.wait_indirect_dma semaphore(%run_scoped3A_164 : memref<!tpu.dma_semaphore, #tpu.memory_space<semaphore_mem>>) src(%arg14 : memref<400x16xf32, #tpu.memory_space<vmem>>) dst(%dma_wait3A_176 : memref<102400x16xf32, #tpu.memory_space<vmem_shared>>)
        tpu.yield
      }) : () -> ()
      %run_scoped3A_163 = arith.constant 4 : i32
      "tpu.region"() ({
        %run_scoped3A_164 = tpu.sem_alloc : memref<!tpu.dma_semaphore, #tpu.memory_space<semaphore_mem>>
        %dma_start3A_165 = arith.constant 0 : i32
        %dma_start3A_166 = tpu.memref_slice %arg13[%run_scoped3A_163, %dma_start3A_165] : memref<5x400xi32, #tpu.memory_space<vmem>> -> memref<1x400xi32, #tpu.memory_space<vmem>>
        %dma_start3A_167 = tpu.memref_squeeze %dma_start3A_166 : memref<1x400xi32, #tpu.memory_space<vmem>> -> memref<400xi32, #tpu.memory_space<vmem>>
        %dma_start3A_168 = arith.constant 0 : i32
        %dma_start3A_169 = tpu.memref_slice %arg11[%dma_start3A_168] : memref<102400xf32, #tpu.memory_space<vmem_shared>> -> memref<102400xf32, #tpu.memory_space<vmem_shared>>
        tpu.enqueue_indirect_dma source(%arg16 : memref<400xf32, #tpu.memory_space<vmem>>) target(%dma_start3A_169 : memref<102400xf32, #tpu.memory_space<vmem_shared>>) offsets(%dma_start3A_167 : memref<400xi32, #tpu.memory_space<vmem>>) semaphore(%run_scoped3A_164 : memref<!tpu.dma_semaphore, #tpu.memory_space<semaphore_mem>>) {add = true}
        %dma_wait3A_170 = arith.constant 0 : i32
        %dma_wait3A_171 = tpu.memref_slice %arg13[%run_scoped3A_163, %dma_wait3A_170] : memref<5x400xi32, #tpu.memory_space<vmem>> -> memref<1x400xi32, #tpu.memory_space<vmem>>
        %dma_wait3A_172 = tpu.memref_squeeze %dma_wait3A_171 : memref<1x400xi32, #tpu.memory_space<vmem>> -> memref<400xi32, #tpu.memory_space<vmem>>
        %dma_wait3A_173 = arith.constant 0 : i32
        %dma_wait3A_174 = tpu.memref_slice %arg11[%dma_wait3A_173] : memref<102400xf32, #tpu.memory_space<vmem_shared>> -> memref<102400xf32, #tpu.memory_space<vmem_shared>>
        tpu.wait_indirect_dma semaphore(%run_scoped3A_164 : memref<!tpu.dma_semaphore, #tpu.memory_space<semaphore_mem>>) src(%arg16 : memref<400xf32, #tpu.memory_space<vmem>>) dst(%dma_wait3A_174 : memref<102400xf32, #tpu.memory_space<vmem_shared>>)
        tpu.yield
      }) : () -> ()
    }
    %scan3A_20 = arith.constant 25 : i32
    %barrier3A_21 = arith.constant 0 : index
    tpu.barrier barrier_id(%barrier3A_21)
    "tpu.region"() ({
      %run_scoped3A = tpu.sem_alloc : memref<!tpu.dma_semaphore, #tpu.memory_space<semaphore_mem>>
      %dma_start3A = arith.constant 0 : i32
      %dma_start3A_78 = tpu.memref_slice %arg8[%arg0, %mul3A_0, %dma_start3A] : memref<2x102400x16xf32, #tpu.memory_space<hbm>> -> memref<1x6400x16xf32, #tpu.memory_space<hbm>>
      %dma_start3A_79 = tpu.memref_squeeze %dma_start3A_78 : memref<1x6400x16xf32, #tpu.memory_space<hbm>> -> memref<6400x16xf32, #tpu.memory_space<hbm>>
      %dma_start3A_80 = arith.constant 0 : i32
      %dma_start3A_81 = tpu.memref_slice %arg10[%mul3A_0, %dma_start3A_80] : memref<102400x16xf32, #tpu.memory_space<vmem_shared>> -> memref<6400x16xf32, #tpu.memory_space<vmem_shared>>
      tpu.enqueue_dma source(%dma_start3A_81 : memref<6400x16xf32, #tpu.memory_space<vmem_shared>>) target(%dma_start3A_79 : memref<6400x16xf32, #tpu.memory_space<hbm>>) target_semaphore(%run_scoped3A : memref<!tpu.dma_semaphore, #tpu.memory_space<semaphore_mem>>)
      %dma_wait3A = arith.constant 0 : i32
      %dma_wait3A_82 = tpu.memref_slice %arg8[%arg0, %mul3A_0, %dma_wait3A] : memref<2x102400x16xf32, #tpu.memory_space<hbm>> -> memref<1x6400x16xf32, #tpu.memory_space<hbm>>
      %dma_wait3A_83 = tpu.memref_squeeze %dma_wait3A_82 : memref<1x6400x16xf32, #tpu.memory_space<hbm>> -> memref<6400x16xf32, #tpu.memory_space<hbm>>
      %dma_wait3A_84 = arith.constant 0 : i32
      %dma_wait3A_85 = tpu.memref_slice %arg10[%mul3A_0, %dma_wait3A_84] : memref<102400x16xf32, #tpu.memory_space<vmem_shared>> -> memref<6400x16xf32, #tpu.memory_space<vmem_shared>>
      tpu.wait_dma2 semaphore(%run_scoped3A : memref<!tpu.dma_semaphore, #tpu.memory_space<semaphore_mem>>) src(%dma_wait3A_85 : memref<6400x16xf32, #tpu.memory_space<vmem_shared>>) dst(%dma_wait3A_83 : memref<6400x16xf32, #tpu.memory_space<hbm>>)
      tpu.yield
    }) : () -> ()
    %add3A_22 = arith.constant 0 : i32
    %add3A_23 = arith.addi %mul3A_0, %add3A_22 : i32
    "tpu.region"() ({
      %run_scoped3A = tpu.sem_alloc : memref<!tpu.dma_semaphore, #tpu.memory_space<semaphore_mem>>
      %dma_start3A = arith.constant 0 : i32
      %dma_start3A_78 = tpu.memref_slice %arg17[%dma_start3A] : memref<800xf32, #tpu.memory_space<vmem>> -> memref<800xf32, #tpu.memory_space<vmem>>
      %dma_start3A_79 = tpu.memref_slice %arg11[%add3A_23] : memref<102400xf32, #tpu.memory_space<vmem_shared>> -> memref<800xf32, #tpu.memory_space<vmem_shared>>
      %dma_start3A_80 = arith.constant 0 : i32
      %dma_start3A_81 = tpu.memref_slice %arg17[%dma_start3A_80] : memref<800xf32, #tpu.memory_space<vmem>> -> memref<800xf32, #tpu.memory_space<vmem>>
      %dma_start3A_82 = tpu.memref_slice %arg11[%add3A_23] : memref<102400xf32, #tpu.memory_space<vmem_shared>> -> memref<800xf32, #tpu.memory_space<vmem_shared>>
      tpu.enqueue_dma source(%dma_start3A_82 : memref<800xf32, #tpu.memory_space<vmem_shared>>) target(%dma_start3A_81 : memref<800xf32, #tpu.memory_space<vmem>>) target_semaphore(%run_scoped3A : memref<!tpu.dma_semaphore, #tpu.memory_space<semaphore_mem>>)
      %dma_wait3A = arith.constant 0 : i32
      %dma_wait3A_83 = tpu.memref_slice %arg17[%dma_wait3A] : memref<800xf32, #tpu.memory_space<vmem>> -> memref<800xf32, #tpu.memory_space<vmem>>
      %dma_wait3A_84 = tpu.memref_slice %arg11[%add3A_23] : memref<102400xf32, #tpu.memory_space<vmem_shared>> -> memref<800xf32, #tpu.memory_space<vmem_shared>>
      %dma_wait3A_85 = arith.constant 0 : i32
      %dma_wait3A_86 = tpu.memref_slice %arg17[%dma_wait3A_85] : memref<800xf32, #tpu.memory_space<vmem>> -> memref<800xf32, #tpu.memory_space<vmem>>
      %dma_wait3A_87 = tpu.memref_slice %arg11[%add3A_23] : memref<102400xf32, #tpu.memory_space<vmem_shared>> -> memref<800xf32, #tpu.memory_space<vmem_shared>>
      tpu.wait_dma2 semaphore(%run_scoped3A : memref<!tpu.dma_semaphore, #tpu.memory_space<semaphore_mem>>) src(%dma_wait3A_87 : memref<800xf32, #tpu.memory_space<vmem_shared>>) dst(%dma_wait3A_86 : memref<800xf32, #tpu.memory_space<vmem>>)
      tpu.yield
    }) : () -> ()
    %mul3A_24 = arith.constant 102400 : i32
    %mul3A_25 = arith.muli %arg0, %mul3A_24 : i32
    %add3A_26 = arith.addi %mul3A_25, %mul3A_0 : i32
    %add3A_27 = arith.constant 0 : i32
    %add3A_28 = arith.addi %add3A_26, %add3A_27 : i32
    "tpu.region"() ({
      %run_scoped3A = tpu.sem_alloc : memref<!tpu.dma_semaphore, #tpu.memory_space<semaphore_mem>>
      %dma_start3A = arith.constant 0 : i32
      %dma_start3A_78 = tpu.memref_slice %arg17[%dma_start3A] : memref<800xf32, #tpu.memory_space<vmem>> -> memref<800xf32, #tpu.memory_space<vmem>>
      %dma_start3A_79 = tpu.memref_slice %arg9[%add3A_28] : memref<204800xf32, #tpu.memory_space<hbm>> -> memref<800xf32, #tpu.memory_space<hbm>>
      %dma_start3A_80 = tpu.memref_slice %arg9[%add3A_28] : memref<204800xf32, #tpu.memory_space<hbm>> -> memref<800xf32, #tpu.memory_space<hbm>>
      %dma_start3A_81 = arith.constant 0 : i32
      %dma_start3A_82 = tpu.memref_slice %arg17[%dma_start3A_81] : memref<800xf32, #tpu.memory_space<vmem>> -> memref<800xf32, #tpu.memory_space<vmem>>
      tpu.enqueue_dma source(%dma_start3A_82 : memref<800xf32, #tpu.memory_space<vmem>>) target(%dma_start3A_80 : memref<800xf32, #tpu.memory_space<hbm>>) target_semaphore(%run_scoped3A : memref<!tpu.dma_semaphore, #tpu.memory_space<semaphore_mem>>)
      %dma_wait3A = arith.constant 0 : i32
      %dma_wait3A_83 = tpu.memref_slice %arg17[%dma_wait3A] : memref<800xf32, #tpu.memory_space<vmem>> -> memref<800xf32, #tpu.memory_space<vmem>>
      %dma_wait3A_84 = tpu.memref_slice %arg9[%add3A_28] : memref<204800xf32, #tpu.memory_space<hbm>> -> memref<800xf32, #tpu.memory_space<hbm>>
      %dma_wait3A_85 = tpu.memref_slice %arg9[%add3A_28] : memref<204800xf32, #tpu.memory_space<hbm>> -> memref<800xf32, #tpu.memory_space<hbm>>
      %dma_wait3A_86 = arith.constant 0 : i32
      %dma_wait3A_87 = tpu.memref_slice %arg17[%dma_wait3A_86] : memref<800xf32, #tpu.memory_space<vmem>> -> memref<800xf32, #tpu.memory_space<vmem>>
      tpu.wait_dma2 semaphore(%run_scoped3A : memref<!tpu.dma_semaphore, #tpu.memory_space<semaphore_mem>>) src(%dma_wait3A_87 : memref<800xf32, #tpu.memory_space<vmem>>) dst(%dma_wait3A_85 : memref<800xf32, #tpu.memory_space<hbm>>)
      tpu.yield
    }) : () -> ()
    %add3A_29 = arith.constant 800 : i32
    %add3A_30 = arith.addi %mul3A_0, %add3A_29 : i32
    "tpu.region"() ({
      %run_scoped3A = tpu.sem_alloc : memref<!tpu.dma_semaphore, #tpu.memory_space<semaphore_mem>>
      %dma_start3A = arith.constant 0 : i32
      %dma_start3A_78 = tpu.memref_slice %arg17[%dma_start3A] : memref<800xf32, #tpu.memory_space<vmem>> -> memref<800xf32, #tpu.memory_space<vmem>>
      %dma_start3A_79 = tpu.memref_slice %arg11[%add3A_30] : memref<102400xf32, #tpu.memory_space<vmem_shared>> -> memref<800xf32, #tpu.memory_space<vmem_shared>>
      %dma_start3A_80 = arith.constant 0 : i32
      %dma_start3A_81 = tpu.memref_slice %arg17[%dma_start3A_80] : memref<800xf32, #tpu.memory_space<vmem>> -> memref<800xf32, #tpu.memory_space<vmem>>
      %dma_start3A_82 = tpu.memref_slice %arg11[%add3A_30] : memref<102400xf32, #tpu.memory_space<vmem_shared>> -> memref<800xf32, #tpu.memory_space<vmem_shared>>
      tpu.enqueue_dma source(%dma_start3A_82 : memref<800xf32, #tpu.memory_space<vmem_shared>>) target(%dma_start3A_81 : memref<800xf32, #tpu.memory_space<vmem>>) target_semaphore(%run_scoped3A : memref<!tpu.dma_semaphore, #tpu.memory_space<semaphore_mem>>)
      %dma_wait3A = arith.constant 0 : i32
      %dma_wait3A_83 = tpu.memref_slice %arg17[%dma_wait3A] : memref<800xf32, #tpu.memory_space<vmem>> -> memref<800xf32, #tpu.memory_space<vmem>>
      %dma_wait3A_84 = tpu.memref_slice %arg11[%add3A_30] : memref<102400xf32, #tpu.memory_space<vmem_shared>> -> memref<800xf32, #tpu.memory_space<vmem_shared>>
      %dma_wait3A_85 = arith.constant 0 : i32
      %dma_wait3A_86 = tpu.memref_slice %arg17[%dma_wait3A_85] : memref<800xf32, #tpu.memory_space<vmem>> -> memref<800xf32, #tpu.memory_space<vmem>>
      %dma_wait3A_87 = tpu.memref_slice %arg11[%add3A_30] : memref<102400xf32, #tpu.memory_space<vmem_shared>> -> memref<800xf32, #tpu.memory_space<vmem_shared>>
      tpu.wait_dma2 semaphore(%run_scoped3A : memref<!tpu.dma_semaphore, #tpu.memory_space<semaphore_mem>>) src(%dma_wait3A_87 : memref<800xf32, #tpu.memory_space<vmem_shared>>) dst(%dma_wait3A_86 : memref<800xf32, #tpu.memory_space<vmem>>)
      tpu.yield
    }) : () -> ()
    %mul3A_31 = arith.constant 102400 : i32
    %mul3A_32 = arith.muli %arg0, %mul3A_31 : i32
    %add3A_33 = arith.addi %mul3A_32, %mul3A_0 : i32
    %add3A_34 = arith.constant 800 : i32
    %add3A_35 = arith.addi %add3A_33, %add3A_34 : i32
    "tpu.region"() ({
      %run_scoped3A = tpu.sem_alloc : memref<!tpu.dma_semaphore, #tpu.memory_space<semaphore_mem>>
      %dma_start3A = arith.constant 0 : i32
      %dma_start3A_78 = tpu.memref_slice %arg17[%dma_start3A] : memref<800xf32, #tpu.memory_space<vmem>> -> memref<800xf32, #tpu.memory_space<vmem>>
      %dma_start3A_79 = tpu.memref_slice %arg9[%add3A_35] : memref<204800xf32, #tpu.memory_space<hbm>> -> memref<800xf32, #tpu.memory_space<hbm>>
      %dma_start3A_80 = tpu.memref_slice %arg9[%add3A_35] : memref<204800xf32, #tpu.memory_space<hbm>> -> memref<800xf32, #tpu.memory_space<hbm>>
      %dma_start3A_81 = arith.constant 0 : i32
      %dma_start3A_82 = tpu.memref_slice %arg17[%dma_start3A_81] : memref<800xf32, #tpu.memory_space<vmem>> -> memref<800xf32, #tpu.memory_space<vmem>>
      tpu.enqueue_dma source(%dma_start3A_82 : memref<800xf32, #tpu.memory_space<vmem>>) target(%dma_start3A_80 : memref<800xf32, #tpu.memory_space<hbm>>) target_semaphore(%run_scoped3A : memref<!tpu.dma_semaphore, #tpu.memory_space<semaphore_mem>>)
      %dma_wait3A = arith.constant 0 : i32
      %dma_wait3A_83 = tpu.memref_slice %arg17[%dma_wait3A] : memref<800xf32, #tpu.memory_space<vmem>> -> memref<800xf32, #tpu.memory_space<vmem>>
      %dma_wait3A_84 = tpu.memref_slice %arg9[%add3A_35] : memref<204800xf32, #tpu.memory_space<hbm>> -> memref<800xf32, #tpu.memory_space<hbm>>
      %dma_wait3A_85 = tpu.memref_slice %arg9[%add3A_35] : memref<204800xf32, #tpu.memory_space<hbm>> -> memref<800xf32, #tpu.memory_space<hbm>>
      %dma_wait3A_86 = arith.constant 0 : i32
      %dma_wait3A_87 = tpu.memref_slice %arg17[%dma_wait3A_86] : memref<800xf32, #tpu.memory_space<vmem>> -> memref<800xf32, #tpu.memory_space<vmem>>
      tpu.wait_dma2 semaphore(%run_scoped3A : memref<!tpu.dma_semaphore, #tpu.memory_space<semaphore_mem>>) src(%dma_wait3A_87 : memref<800xf32, #tpu.memory_space<vmem>>) dst(%dma_wait3A_85 : memref<800xf32, #tpu.memory_space<hbm>>)
      tpu.yield
    }) : () -> ()
    %add3A_36 = arith.constant 1600 : i32
    %add3A_37 = arith.addi %mul3A_0, %add3A_36 : i32
    "tpu.region"() ({
      %run_scoped3A = tpu.sem_alloc : memref<!tpu.dma_semaphore, #tpu.memory_space<semaphore_mem>>
      %dma_start3A = arith.constant 0 : i32
      %dma_start3A_78 = tpu.memref_slice %arg17[%dma_start3A] : memref<800xf32, #tpu.memory_space<vmem>> -> memref<800xf32, #tpu.memory_space<vmem>>
      %dma_start3A_79 = tpu.memref_slice %arg11[%add3A_37] : memref<102400xf32, #tpu.memory_space<vmem_shared>> -> memref<800xf32, #tpu.memory_space<vmem_shared>>
      %dma_start3A_80 = arith.constant 0 : i32
      %dma_start3A_81 = tpu.memref_slice %arg17[%dma_start3A_80] : memref<800xf32, #tpu.memory_space<vmem>> -> memref<800xf32, #tpu.memory_space<vmem>>
      %dma_start3A_82 = tpu.memref_slice %arg11[%add3A_37] : memref<102400xf32, #tpu.memory_space<vmem_shared>> -> memref<800xf32, #tpu.memory_space<vmem_shared>>
      tpu.enqueue_dma source(%dma_start3A_82 : memref<800xf32, #tpu.memory_space<vmem_shared>>) target(%dma_start3A_81 : memref<800xf32, #tpu.memory_space<vmem>>) target_semaphore(%run_scoped3A : memref<!tpu.dma_semaphore, #tpu.memory_space<semaphore_mem>>)
      %dma_wait3A = arith.constant 0 : i32
      %dma_wait3A_83 = tpu.memref_slice %arg17[%dma_wait3A] : memref<800xf32, #tpu.memory_space<vmem>> -> memref<800xf32, #tpu.memory_space<vmem>>
      %dma_wait3A_84 = tpu.memref_slice %arg11[%add3A_37] : memref<102400xf32, #tpu.memory_space<vmem_shared>> -> memref<800xf32, #tpu.memory_space<vmem_shared>>
      %dma_wait3A_85 = arith.constant 0 : i32
      %dma_wait3A_86 = tpu.memref_slice %arg17[%dma_wait3A_85] : memref<800xf32, #tpu.memory_space<vmem>> -> memref<800xf32, #tpu.memory_space<vmem>>
      %dma_wait3A_87 = tpu.memref_slice %arg11[%add3A_37] : memref<102400xf32, #tpu.memory_space<vmem_shared>> -> memref<800xf32, #tpu.memory_space<vmem_shared>>
      tpu.wait_dma2 semaphore(%run_scoped3A : memref<!tpu.dma_semaphore, #tpu.memory_space<semaphore_mem>>) src(%dma_wait3A_87 : memref<800xf32, #tpu.memory_space<vmem_shared>>) dst(%dma_wait3A_86 : memref<800xf32, #tpu.memory_space<vmem>>)
      tpu.yield
    }) : () -> ()
    %mul3A_38 = arith.constant 102400 : i32
    %mul3A_39 = arith.muli %arg0, %mul3A_38 : i32
    %add3A_40 = arith.addi %mul3A_39, %mul3A_0 : i32
    %add3A_41 = arith.constant 1600 : i32
    %add3A_42 = arith.addi %add3A_40, %add3A_41 : i32
    "tpu.region"() ({
      %run_scoped3A = tpu.sem_alloc : memref<!tpu.dma_semaphore, #tpu.memory_space<semaphore_mem>>
      %dma_start3A = arith.constant 0 : i32
      %dma_start3A_78 = tpu.memref_slice %arg17[%dma_start3A] : memref<800xf32, #tpu.memory_space<vmem>> -> memref<800xf32, #tpu.memory_space<vmem>>
      %dma_start3A_79 = tpu.memref_slice %arg9[%add3A_42] : memref<204800xf32, #tpu.memory_space<hbm>> -> memref<800xf32, #tpu.memory_space<hbm>>
      %dma_start3A_80 = tpu.memref_slice %arg9[%add3A_42] : memref<204800xf32, #tpu.memory_space<hbm>> -> memref<800xf32, #tpu.memory_space<hbm>>
      %dma_start3A_81 = arith.constant 0 : i32
      %dma_start3A_82 = tpu.memref_slice %arg17[%dma_start3A_81] : memref<800xf32, #tpu.memory_space<vmem>> -> memref<800xf32, #tpu.memory_space<vmem>>
      tpu.enqueue_dma source(%dma_start3A_82 : memref<800xf32, #tpu.memory_space<vmem>>) target(%dma_start3A_80 : memref<800xf32, #tpu.memory_space<hbm>>) target_semaphore(%run_scoped3A : memref<!tpu.dma_semaphore, #tpu.memory_space<semaphore_mem>>)
      %dma_wait3A = arith.constant 0 : i32
      %dma_wait3A_83 = tpu.memref_slice %arg17[%dma_wait3A] : memref<800xf32, #tpu.memory_space<vmem>> -> memref<800xf32, #tpu.memory_space<vmem>>
      %dma_wait3A_84 = tpu.memref_slice %arg9[%add3A_42] : memref<204800xf32, #tpu.memory_space<hbm>> -> memref<800xf32, #tpu.memory_space<hbm>>
      %dma_wait3A_85 = tpu.memref_slice %arg9[%add3A_42] : memref<204800xf32, #tpu.memory_space<hbm>> -> memref<800xf32, #tpu.memory_space<hbm>>
      %dma_wait3A_86 = arith.constant 0 : i32
      %dma_wait3A_87 = tpu.memref_slice %arg17[%dma_wait3A_86] : memref<800xf32, #tpu.memory_space<vmem>> -> memref<800xf32, #tpu.memory_space<vmem>>
      tpu.wait_dma2 semaphore(%run_scoped3A : memref<!tpu.dma_semaphore, #tpu.memory_space<semaphore_mem>>) src(%dma_wait3A_87 : memref<800xf32, #tpu.memory_space<vmem>>) dst(%dma_wait3A_85 : memref<800xf32, #tpu.memory_space<hbm>>)
      tpu.yield
    }) : () -> ()
    %add3A_43 = arith.constant 2400 : i32
    %add3A_44 = arith.addi %mul3A_0, %add3A_43 : i32
    "tpu.region"() ({
      %run_scoped3A = tpu.sem_alloc : memref<!tpu.dma_semaphore, #tpu.memory_space<semaphore_mem>>
      %dma_start3A = arith.constant 0 : i32
      %dma_start3A_78 = tpu.memref_slice %arg17[%dma_start3A] : memref<800xf32, #tpu.memory_space<vmem>> -> memref<800xf32, #tpu.memory_space<vmem>>
      %dma_start3A_79 = tpu.memref_slice %arg11[%add3A_44] : memref<102400xf32, #tpu.memory_space<vmem_shared>> -> memref<800xf32, #tpu.memory_space<vmem_shared>>
      %dma_start3A_80 = arith.constant 0 : i32
      %dma_start3A_81 = tpu.memref_slice %arg17[%dma_start3A_80] : memref<800xf32, #tpu.memory_space<vmem>> -> memref<800xf32, #tpu.memory_space<vmem>>
      %dma_start3A_82 = tpu.memref_slice %arg11[%add3A_44] : memref<102400xf32, #tpu.memory_space<vmem_shared>> -> memref<800xf32, #tpu.memory_space<vmem_shared>>
      tpu.enqueue_dma source(%dma_start3A_82 : memref<800xf32, #tpu.memory_space<vmem_shared>>) target(%dma_start3A_81 : memref<800xf32, #tpu.memory_space<vmem>>) target_semaphore(%run_scoped3A : memref<!tpu.dma_semaphore, #tpu.memory_space<semaphore_mem>>)
      %dma_wait3A = arith.constant 0 : i32
      %dma_wait3A_83 = tpu.memref_slice %arg17[%dma_wait3A] : memref<800xf32, #tpu.memory_space<vmem>> -> memref<800xf32, #tpu.memory_space<vmem>>
      %dma_wait3A_84 = tpu.memref_slice %arg11[%add3A_44] : memref<102400xf32, #tpu.memory_space<vmem_shared>> -> memref<800xf32, #tpu.memory_space<vmem_shared>>
      %dma_wait3A_85 = arith.constant 0 : i32
      %dma_wait3A_86 = tpu.memref_slice %arg17[%dma_wait3A_85] : memref<800xf32, #tpu.memory_space<vmem>> -> memref<800xf32, #tpu.memory_space<vmem>>
      %dma_wait3A_87 = tpu.memref_slice %arg11[%add3A_44] : memref<102400xf32, #tpu.memory_space<vmem_shared>> -> memref<800xf32, #tpu.memory_space<vmem_shared>>
      tpu.wait_dma2 semaphore(%run_scoped3A : memref<!tpu.dma_semaphore, #tpu.memory_space<semaphore_mem>>) src(%dma_wait3A_87 : memref<800xf32, #tpu.memory_space<vmem_shared>>) dst(%dma_wait3A_86 : memref<800xf32, #tpu.memory_space<vmem>>)
      tpu.yield
    }) : () -> ()
    %mul3A_45 = arith.constant 102400 : i32
    %mul3A_46 = arith.muli %arg0, %mul3A_45 : i32
    %add3A_47 = arith.addi %mul3A_46, %mul3A_0 : i32
    %add3A_48 = arith.constant 2400 : i32
    %add3A_49 = arith.addi %add3A_47, %add3A_48 : i32
    "tpu.region"() ({
      %run_scoped3A = tpu.sem_alloc : memref<!tpu.dma_semaphore, #tpu.memory_space<semaphore_mem>>
      %dma_start3A = arith.constant 0 : i32
      %dma_start3A_78 = tpu.memref_slice %arg17[%dma_start3A] : memref<800xf32, #tpu.memory_space<vmem>> -> memref<800xf32, #tpu.memory_space<vmem>>
      %dma_start3A_79 = tpu.memref_slice %arg9[%add3A_49] : memref<204800xf32, #tpu.memory_space<hbm>> -> memref<800xf32, #tpu.memory_space<hbm>>
      %dma_start3A_80 = tpu.memref_slice %arg9[%add3A_49] : memref<204800xf32, #tpu.memory_space<hbm>> -> memref<800xf32, #tpu.memory_space<hbm>>
      %dma_start3A_81 = arith.constant 0 : i32
      %dma_start3A_82 = tpu.memref_slice %arg17[%dma_start3A_81] : memref<800xf32, #tpu.memory_space<vmem>> -> memref<800xf32, #tpu.memory_space<vmem>>
      tpu.enqueue_dma source(%dma_start3A_82 : memref<800xf32, #tpu.memory_space<vmem>>) target(%dma_start3A_80 : memref<800xf32, #tpu.memory_space<hbm>>) target_semaphore(%run_scoped3A : memref<!tpu.dma_semaphore, #tpu.memory_space<semaphore_mem>>)
      %dma_wait3A = arith.constant 0 : i32
      %dma_wait3A_83 = tpu.memref_slice %arg17[%dma_wait3A] : memref<800xf32, #tpu.memory_space<vmem>> -> memref<800xf32, #tpu.memory_space<vmem>>
      %dma_wait3A_84 = tpu.memref_slice %arg9[%add3A_49] : memref<204800xf32, #tpu.memory_space<hbm>> -> memref<800xf32, #tpu.memory_space<hbm>>
      %dma_wait3A_85 = tpu.memref_slice %arg9[%add3A_49] : memref<204800xf32, #tpu.memory_space<hbm>> -> memref<800xf32, #tpu.memory_space<hbm>>
      %dma_wait3A_86 = arith.constant 0 : i32
      %dma_wait3A_87 = tpu.memref_slice %arg17[%dma_wait3A_86] : memref<800xf32, #tpu.memory_space<vmem>> -> memref<800xf32, #tpu.memory_space<vmem>>
      tpu.wait_dma2 semaphore(%run_scoped3A : memref<!tpu.dma_semaphore, #tpu.memory_space<semaphore_mem>>) src(%dma_wait3A_87 : memref<800xf32, #tpu.memory_space<vmem>>) dst(%dma_wait3A_85 : memref<800xf32, #tpu.memory_space<hbm>>)
      tpu.yield
    }) : () -> ()
    %add3A_50 = arith.constant 3200 : i32
    %add3A_51 = arith.addi %mul3A_0, %add3A_50 : i32
    "tpu.region"() ({
      %run_scoped3A = tpu.sem_alloc : memref<!tpu.dma_semaphore, #tpu.memory_space<semaphore_mem>>
      %dma_start3A = arith.constant 0 : i32
      %dma_start3A_78 = tpu.memref_slice %arg17[%dma_start3A] : memref<800xf32, #tpu.memory_space<vmem>> -> memref<800xf32, #tpu.memory_space<vmem>>
      %dma_start3A_79 = tpu.memref_slice %arg11[%add3A_51] : memref<102400xf32, #tpu.memory_space<vmem_shared>> -> memref<800xf32, #tpu.memory_space<vmem_shared>>
      %dma_start3A_80 = arith.constant 0 : i32
      %dma_start3A_81 = tpu.memref_slice %arg17[%dma_start3A_80] : memref<800xf32, #tpu.memory_space<vmem>> -> memref<800xf32, #tpu.memory_space<vmem>>
      %dma_start3A_82 = tpu.memref_slice %arg11[%add3A_51] : memref<102400xf32, #tpu.memory_space<vmem_shared>> -> memref<800xf32, #tpu.memory_space<vmem_shared>>
      tpu.enqueue_dma source(%dma_start3A_82 : memref<800xf32, #tpu.memory_space<vmem_shared>>) target(%dma_start3A_81 : memref<800xf32, #tpu.memory_space<vmem>>) target_semaphore(%run_scoped3A : memref<!tpu.dma_semaphore, #tpu.memory_space<semaphore_mem>>)
      %dma_wait3A = arith.constant 0 : i32
      %dma_wait3A_83 = tpu.memref_slice %arg17[%dma_wait3A] : memref<800xf32, #tpu.memory_space<vmem>> -> memref<800xf32, #tpu.memory_space<vmem>>
      %dma_wait3A_84 = tpu.memref_slice %arg11[%add3A_51] : memref<102400xf32, #tpu.memory_space<vmem_shared>> -> memref<800xf32, #tpu.memory_space<vmem_shared>>
      %dma_wait3A_85 = arith.constant 0 : i32
      %dma_wait3A_86 = tpu.memref_slice %arg17[%dma_wait3A_85] : memref<800xf32, #tpu.memory_space<vmem>> -> memref<800xf32, #tpu.memory_space<vmem>>
      %dma_wait3A_87 = tpu.memref_slice %arg11[%add3A_51] : memref<102400xf32, #tpu.memory_space<vmem_shared>> -> memref<800xf32, #tpu.memory_space<vmem_shared>>
      tpu.wait_dma2 semaphore(%run_scoped3A : memref<!tpu.dma_semaphore, #tpu.memory_space<semaphore_mem>>) src(%dma_wait3A_87 : memref<800xf32, #tpu.memory_space<vmem_shared>>) dst(%dma_wait3A_86 : memref<800xf32, #tpu.memory_space<vmem>>)
      tpu.yield
    }) : () -> ()
    %mul3A_52 = arith.constant 102400 : i32
    %mul3A_53 = arith.muli %arg0, %mul3A_52 : i32
    %add3A_54 = arith.addi %mul3A_53, %mul3A_0 : i32
    %add3A_55 = arith.constant 3200 : i32
    %add3A_56 = arith.addi %add3A_54, %add3A_55 : i32
    "tpu.region"() ({
      %run_scoped3A = tpu.sem_alloc : memref<!tpu.dma_semaphore, #tpu.memory_space<semaphore_mem>>
      %dma_start3A = arith.constant 0 : i32
      %dma_start3A_78 = tpu.memref_slice %arg17[%dma_start3A] : memref<800xf32, #tpu.memory_space<vmem>> -> memref<800xf32, #tpu.memory_space<vmem>>
      %dma_start3A_79 = tpu.memref_slice %arg9[%add3A_56] : memref<204800xf32, #tpu.memory_space<hbm>> -> memref<800xf32, #tpu.memory_space<hbm>>
      %dma_start3A_80 = tpu.memref_slice %arg9[%add3A_56] : memref<204800xf32, #tpu.memory_space<hbm>> -> memref<800xf32, #tpu.memory_space<hbm>>
      %dma_start3A_81 = arith.constant 0 : i32
      %dma_start3A_82 = tpu.memref_slice %arg17[%dma_start3A_81] : memref<800xf32, #tpu.memory_space<vmem>> -> memref<800xf32, #tpu.memory_space<vmem>>
      tpu.enqueue_dma source(%dma_start3A_82 : memref<800xf32, #tpu.memory_space<vmem>>) target(%dma_start3A_80 : memref<800xf32, #tpu.memory_space<hbm>>) target_semaphore(%run_scoped3A : memref<!tpu.dma_semaphore, #tpu.memory_space<semaphore_mem>>)
      %dma_wait3A = arith.constant 0 : i32
      %dma_wait3A_83 = tpu.memref_slice %arg17[%dma_wait3A] : memref<800xf32, #tpu.memory_space<vmem>> -> memref<800xf32, #tpu.memory_space<vmem>>
      %dma_wait3A_84 = tpu.memref_slice %arg9[%add3A_56] : memref<204800xf32, #tpu.memory_space<hbm>> -> memref<800xf32, #tpu.memory_space<hbm>>
      %dma_wait3A_85 = tpu.memref_slice %arg9[%add3A_56] : memref<204800xf32, #tpu.memory_space<hbm>> -> memref<800xf32, #tpu.memory_space<hbm>>
      %dma_wait3A_86 = arith.constant 0 : i32
      %dma_wait3A_87 = tpu.memref_slice %arg17[%dma_wait3A_86] : memref<800xf32, #tpu.memory_space<vmem>> -> memref<800xf32, #tpu.memory_space<vmem>>
      tpu.wait_dma2 semaphore(%run_scoped3A : memref<!tpu.dma_semaphore, #tpu.memory_space<semaphore_mem>>) src(%dma_wait3A_87 : memref<800xf32, #tpu.memory_space<vmem>>) dst(%dma_wait3A_85 : memref<800xf32, #tpu.memory_space<hbm>>)
      tpu.yield
    }) : () -> ()
    %add3A_57 = arith.constant 4000 : i32
    %add3A_58 = arith.addi %mul3A_0, %add3A_57 : i32
    "tpu.region"() ({
      %run_scoped3A = tpu.sem_alloc : memref<!tpu.dma_semaphore, #tpu.memory_space<semaphore_mem>>
      %dma_start3A = arith.constant 0 : i32
      %dma_start3A_78 = tpu.memref_slice %arg17[%dma_start3A] : memref<800xf32, #tpu.memory_space<vmem>> -> memref<800xf32, #tpu.memory_space<vmem>>
      %dma_start3A_79 = tpu.memref_slice %arg11[%add3A_58] : memref<102400xf32, #tpu.memory_space<vmem_shared>> -> memref<800xf32, #tpu.memory_space<vmem_shared>>
      %dma_start3A_80 = arith.constant 0 : i32
      %dma_start3A_81 = tpu.memref_slice %arg17[%dma_start3A_80] : memref<800xf32, #tpu.memory_space<vmem>> -> memref<800xf32, #tpu.memory_space<vmem>>
      %dma_start3A_82 = tpu.memref_slice %arg11[%add3A_58] : memref<102400xf32, #tpu.memory_space<vmem_shared>> -> memref<800xf32, #tpu.memory_space<vmem_shared>>
      tpu.enqueue_dma source(%dma_start3A_82 : memref<800xf32, #tpu.memory_space<vmem_shared>>) target(%dma_start3A_81 : memref<800xf32, #tpu.memory_space<vmem>>) target_semaphore(%run_scoped3A : memref<!tpu.dma_semaphore, #tpu.memory_space<semaphore_mem>>)
      %dma_wait3A = arith.constant 0 : i32
      %dma_wait3A_83 = tpu.memref_slice %arg17[%dma_wait3A] : memref<800xf32, #tpu.memory_space<vmem>> -> memref<800xf32, #tpu.memory_space<vmem>>
      %dma_wait3A_84 = tpu.memref_slice %arg11[%add3A_58] : memref<102400xf32, #tpu.memory_space<vmem_shared>> -> memref<800xf32, #tpu.memory_space<vmem_shared>>
      %dma_wait3A_85 = arith.constant 0 : i32
      %dma_wait3A_86 = tpu.memref_slice %arg17[%dma_wait3A_85] : memref<800xf32, #tpu.memory_space<vmem>> -> memref<800xf32, #tpu.memory_space<vmem>>
      %dma_wait3A_87 = tpu.memref_slice %arg11[%add3A_58] : memref<102400xf32, #tpu.memory_space<vmem_shared>> -> memref<800xf32, #tpu.memory_space<vmem_shared>>
      tpu.wait_dma2 semaphore(%run_scoped3A : memref<!tpu.dma_semaphore, #tpu.memory_space<semaphore_mem>>) src(%dma_wait3A_87 : memref<800xf32, #tpu.memory_space<vmem_shared>>) dst(%dma_wait3A_86 : memref<800xf32, #tpu.memory_space<vmem>>)
      tpu.yield
    }) : () -> ()
    %mul3A_59 = arith.constant 102400 : i32
    %mul3A_60 = arith.muli %arg0, %mul3A_59 : i32
    %add3A_61 = arith.addi %mul3A_60, %mul3A_0 : i32
    %add3A_62 = arith.constant 4000 : i32
    %add3A_63 = arith.addi %add3A_61, %add3A_62 : i32
    "tpu.region"() ({
      %run_scoped3A = tpu.sem_alloc : memref<!tpu.dma_semaphore, #tpu.memory_space<semaphore_mem>>
      %dma_start3A = arith.constant 0 : i32
      %dma_start3A_78 = tpu.memref_slice %arg17[%dma_start3A] : memref<800xf32, #tpu.memory_space<vmem>> -> memref<800xf32, #tpu.memory_space<vmem>>
      %dma_start3A_79 = tpu.memref_slice %arg9[%add3A_63] : memref<204800xf32, #tpu.memory_space<hbm>> -> memref<800xf32, #tpu.memory_space<hbm>>
      %dma_start3A_80 = tpu.memref_slice %arg9[%add3A_63] : memref<204800xf32, #tpu.memory_space<hbm>> -> memref<800xf32, #tpu.memory_space<hbm>>
      %dma_start3A_81 = arith.constant 0 : i32
      %dma_start3A_82 = tpu.memref_slice %arg17[%dma_start3A_81] : memref<800xf32, #tpu.memory_space<vmem>> -> memref<800xf32, #tpu.memory_space<vmem>>
      tpu.enqueue_dma source(%dma_start3A_82 : memref<800xf32, #tpu.memory_space<vmem>>) target(%dma_start3A_80 : memref<800xf32, #tpu.memory_space<hbm>>) target_semaphore(%run_scoped3A : memref<!tpu.dma_semaphore, #tpu.memory_space<semaphore_mem>>)
      %dma_wait3A = arith.constant 0 : i32
      %dma_wait3A_83 = tpu.memref_slice %arg17[%dma_wait3A] : memref<800xf32, #tpu.memory_space<vmem>> -> memref<800xf32, #tpu.memory_space<vmem>>
      %dma_wait3A_84 = tpu.memref_slice %arg9[%add3A_63] : memref<204800xf32, #tpu.memory_space<hbm>> -> memref<800xf32, #tpu.memory_space<hbm>>
      %dma_wait3A_85 = tpu.memref_slice %arg9[%add3A_63] : memref<204800xf32, #tpu.memory_space<hbm>> -> memref<800xf32, #tpu.memory_space<hbm>>
      %dma_wait3A_86 = arith.constant 0 : i32
      %dma_wait3A_87 = tpu.memref_slice %arg17[%dma_wait3A_86] : memref<800xf32, #tpu.memory_space<vmem>> -> memref<800xf32, #tpu.memory_space<vmem>>
      tpu.wait_dma2 semaphore(%run_scoped3A : memref<!tpu.dma_semaphore, #tpu.memory_space<semaphore_mem>>) src(%dma_wait3A_87 : memref<800xf32, #tpu.memory_space<vmem>>) dst(%dma_wait3A_85 : memref<800xf32, #tpu.memory_space<hbm>>)
      tpu.yield
    }) : () -> ()
    %add3A_64 = arith.constant 4800 : i32
    %add3A_65 = arith.addi %mul3A_0, %add3A_64 : i32
    "tpu.region"() ({
      %run_scoped3A = tpu.sem_alloc : memref<!tpu.dma_semaphore, #tpu.memory_space<semaphore_mem>>
      %dma_start3A = arith.constant 0 : i32
      %dma_start3A_78 = tpu.memref_slice %arg17[%dma_start3A] : memref<800xf32, #tpu.memory_space<vmem>> -> memref<800xf32, #tpu.memory_space<vmem>>
      %dma_start3A_79 = tpu.memref_slice %arg11[%add3A_65] : memref<102400xf32, #tpu.memory_space<vmem_shared>> -> memref<800xf32, #tpu.memory_space<vmem_shared>>
      %dma_start3A_80 = arith.constant 0 : i32
      %dma_start3A_81 = tpu.memref_slice %arg17[%dma_start3A_80] : memref<800xf32, #tpu.memory_space<vmem>> -> memref<800xf32, #tpu.memory_space<vmem>>
      %dma_start3A_82 = tpu.memref_slice %arg11[%add3A_65] : memref<102400xf32, #tpu.memory_space<vmem_shared>> -> memref<800xf32, #tpu.memory_space<vmem_shared>>
      tpu.enqueue_dma source(%dma_start3A_82 : memref<800xf32, #tpu.memory_space<vmem_shared>>) target(%dma_start3A_81 : memref<800xf32, #tpu.memory_space<vmem>>) target_semaphore(%run_scoped3A : memref<!tpu.dma_semaphore, #tpu.memory_space<semaphore_mem>>)
      %dma_wait3A = arith.constant 0 : i32
      %dma_wait3A_83 = tpu.memref_slice %arg17[%dma_wait3A] : memref<800xf32, #tpu.memory_space<vmem>> -> memref<800xf32, #tpu.memory_space<vmem>>
      %dma_wait3A_84 = tpu.memref_slice %arg11[%add3A_65] : memref<102400xf32, #tpu.memory_space<vmem_shared>> -> memref<800xf32, #tpu.memory_space<vmem_shared>>
      %dma_wait3A_85 = arith.constant 0 : i32
      %dma_wait3A_86 = tpu.memref_slice %arg17[%dma_wait3A_85] : memref<800xf32, #tpu.memory_space<vmem>> -> memref<800xf32, #tpu.memory_space<vmem>>
      %dma_wait3A_87 = tpu.memref_slice %arg11[%add3A_65] : memref<102400xf32, #tpu.memory_space<vmem_shared>> -> memref<800xf32, #tpu.memory_space<vmem_shared>>
      tpu.wait_dma2 semaphore(%run_scoped3A : memref<!tpu.dma_semaphore, #tpu.memory_space<semaphore_mem>>) src(%dma_wait3A_87 : memref<800xf32, #tpu.memory_space<vmem_shared>>) dst(%dma_wait3A_86 : memref<800xf32, #tpu.memory_space<vmem>>)
      tpu.yield
    }) : () -> ()
    %mul3A_66 = arith.constant 102400 : i32
    %mul3A_67 = arith.muli %arg0, %mul3A_66 : i32
    %add3A_68 = arith.addi %mul3A_67, %mul3A_0 : i32
    %add3A_69 = arith.constant 4800 : i32
    %add3A_70 = arith.addi %add3A_68, %add3A_69 : i32
    "tpu.region"() ({
      %run_scoped3A = tpu.sem_alloc : memref<!tpu.dma_semaphore, #tpu.memory_space<semaphore_mem>>
      %dma_start3A = arith.constant 0 : i32
      %dma_start3A_78 = tpu.memref_slice %arg17[%dma_start3A] : memref<800xf32, #tpu.memory_space<vmem>> -> memref<800xf32, #tpu.memory_space<vmem>>
      %dma_start3A_79 = tpu.memref_slice %arg9[%add3A_70] : memref<204800xf32, #tpu.memory_space<hbm>> -> memref<800xf32, #tpu.memory_space<hbm>>
      %dma_start3A_80 = tpu.memref_slice %arg9[%add3A_70] : memref<204800xf32, #tpu.memory_space<hbm>> -> memref<800xf32, #tpu.memory_space<hbm>>
      %dma_start3A_81 = arith.constant 0 : i32
      %dma_start3A_82 = tpu.memref_slice %arg17[%dma_start3A_81] : memref<800xf32, #tpu.memory_space<vmem>> -> memref<800xf32, #tpu.memory_space<vmem>>
      tpu.enqueue_dma source(%dma_start3A_82 : memref<800xf32, #tpu.memory_space<vmem>>) target(%dma_start3A_80 : memref<800xf32, #tpu.memory_space<hbm>>) target_semaphore(%run_scoped3A : memref<!tpu.dma_semaphore, #tpu.memory_space<semaphore_mem>>)
      %dma_wait3A = arith.constant 0 : i32
      %dma_wait3A_83 = tpu.memref_slice %arg17[%dma_wait3A] : memref<800xf32, #tpu.memory_space<vmem>> -> memref<800xf32, #tpu.memory_space<vmem>>
      %dma_wait3A_84 = tpu.memref_slice %arg9[%add3A_70] : memref<204800xf32, #tpu.memory_space<hbm>> -> memref<800xf32, #tpu.memory_space<hbm>>
      %dma_wait3A_85 = tpu.memref_slice %arg9[%add3A_70] : memref<204800xf32, #tpu.memory_space<hbm>> -> memref<800xf32, #tpu.memory_space<hbm>>
      %dma_wait3A_86 = arith.constant 0 : i32
      %dma_wait3A_87 = tpu.memref_slice %arg17[%dma_wait3A_86] : memref<800xf32, #tpu.memory_space<vmem>> -> memref<800xf32, #tpu.memory_space<vmem>>
      tpu.wait_dma2 semaphore(%run_scoped3A : memref<!tpu.dma_semaphore, #tpu.memory_space<semaphore_mem>>) src(%dma_wait3A_87 : memref<800xf32, #tpu.memory_space<vmem>>) dst(%dma_wait3A_85 : memref<800xf32, #tpu.memory_space<hbm>>)
      tpu.yield
    }) : () -> ()
    %add3A_71 = arith.constant 5600 : i32
    %add3A_72 = arith.addi %mul3A_0, %add3A_71 : i32
    "tpu.region"() ({
      %run_scoped3A = tpu.sem_alloc : memref<!tpu.dma_semaphore, #tpu.memory_space<semaphore_mem>>
      %dma_start3A = arith.constant 0 : i32
      %dma_start3A_78 = tpu.memref_slice %arg17[%dma_start3A] : memref<800xf32, #tpu.memory_space<vmem>> -> memref<800xf32, #tpu.memory_space<vmem>>
      %dma_start3A_79 = tpu.memref_slice %arg11[%add3A_72] : memref<102400xf32, #tpu.memory_space<vmem_shared>> -> memref<800xf32, #tpu.memory_space<vmem_shared>>
      %dma_start3A_80 = arith.constant 0 : i32
      %dma_start3A_81 = tpu.memref_slice %arg17[%dma_start3A_80] : memref<800xf32, #tpu.memory_space<vmem>> -> memref<800xf32, #tpu.memory_space<vmem>>
      %dma_start3A_82 = tpu.memref_slice %arg11[%add3A_72] : memref<102400xf32, #tpu.memory_space<vmem_shared>> -> memref<800xf32, #tpu.memory_space<vmem_shared>>
      tpu.enqueue_dma source(%dma_start3A_82 : memref<800xf32, #tpu.memory_space<vmem_shared>>) target(%dma_start3A_81 : memref<800xf32, #tpu.memory_space<vmem>>) target_semaphore(%run_scoped3A : memref<!tpu.dma_semaphore, #tpu.memory_space<semaphore_mem>>)
      %dma_wait3A = arith.constant 0 : i32
      %dma_wait3A_83 = tpu.memref_slice %arg17[%dma_wait3A] : memref<800xf32, #tpu.memory_space<vmem>> -> memref<800xf32, #tpu.memory_space<vmem>>
      %dma_wait3A_84 = tpu.memref_slice %arg11[%add3A_72] : memref<102400xf32, #tpu.memory_space<vmem_shared>> -> memref<800xf32, #tpu.memory_space<vmem_shared>>
      %dma_wait3A_85 = arith.constant 0 : i32
      %dma_wait3A_86 = tpu.memref_slice %arg17[%dma_wait3A_85] : memref<800xf32, #tpu.memory_space<vmem>> -> memref<800xf32, #tpu.memory_space<vmem>>
      %dma_wait3A_87 = tpu.memref_slice %arg11[%add3A_72] : memref<102400xf32, #tpu.memory_space<vmem_shared>> -> memref<800xf32, #tpu.memory_space<vmem_shared>>
      tpu.wait_dma2 semaphore(%run_scoped3A : memref<!tpu.dma_semaphore, #tpu.memory_space<semaphore_mem>>) src(%dma_wait3A_87 : memref<800xf32, #tpu.memory_space<vmem_shared>>) dst(%dma_wait3A_86 : memref<800xf32, #tpu.memory_space<vmem>>)
      tpu.yield
    }) : () -> ()
    %mul3A_73 = arith.constant 102400 : i32
    %mul3A_74 = arith.muli %arg0, %mul3A_73 : i32
    %add3A_75 = arith.addi %mul3A_74, %mul3A_0 : i32
    %add3A_76 = arith.constant 5600 : i32
    %add3A_77 = arith.addi %add3A_75, %add3A_76 : i32
    "tpu.region"() ({
      %run_scoped3A = tpu.sem_alloc : memref<!tpu.dma_semaphore, #tpu.memory_space<semaphore_mem>>
      %dma_start3A = arith.constant 0 : i32
      %dma_start3A_78 = tpu.memref_slice %arg17[%dma_start3A] : memref<800xf32, #tpu.memory_space<vmem>> -> memref<800xf32, #tpu.memory_space<vmem>>
      %dma_start3A_79 = tpu.memref_slice %arg9[%add3A_77] : memref<204800xf32, #tpu.memory_space<hbm>> -> memref<800xf32, #tpu.memory_space<hbm>>
      %dma_start3A_80 = tpu.memref_slice %arg9[%add3A_77] : memref<204800xf32, #tpu.memory_space<hbm>> -> memref<800xf32, #tpu.memory_space<hbm>>
      %dma_start3A_81 = arith.constant 0 : i32
      %dma_start3A_82 = tpu.memref_slice %arg17[%dma_start3A_81] : memref<800xf32, #tpu.memory_space<vmem>> -> memref<800xf32, #tpu.memory_space<vmem>>
      tpu.enqueue_dma source(%dma_start3A_82 : memref<800xf32, #tpu.memory_space<vmem>>) target(%dma_start3A_80 : memref<800xf32, #tpu.memory_space<hbm>>) target_semaphore(%run_scoped3A : memref<!tpu.dma_semaphore, #tpu.memory_space<semaphore_mem>>)
      %dma_wait3A = arith.constant 0 : i32
      %dma_wait3A_83 = tpu.memref_slice %arg17[%dma_wait3A] : memref<800xf32, #tpu.memory_space<vmem>> -> memref<800xf32, #tpu.memory_space<vmem>>
      %dma_wait3A_84 = tpu.memref_slice %arg9[%add3A_77] : memref<204800xf32, #tpu.memory_space<hbm>> -> memref<800xf32, #tpu.memory_space<hbm>>
      %dma_wait3A_85 = tpu.memref_slice %arg9[%add3A_77] : memref<204800xf32, #tpu.memory_space<hbm>> -> memref<800xf32, #tpu.memory_space<hbm>>
      %dma_wait3A_86 = arith.constant 0 : i32
      %dma_wait3A_87 = tpu.memref_slice %arg17[%dma_wait3A_86] : memref<800xf32, #tpu.memory_space<vmem>> -> memref<800xf32, #tpu.memory_space<vmem>>
      tpu.wait_dma2 semaphore(%run_scoped3A : memref<!tpu.dma_semaphore, #tpu.memory_space<semaphore_mem>>) src(%dma_wait3A_87 : memref<800xf32, #tpu.memory_space<vmem>>) dst(%dma_wait3A_85 : memref<800xf32, #tpu.memory_space<hbm>>)
      tpu.yield
    }) : () -> ()
    return
  }
}

module attributes {stable_mosaic.version = 14 : i64} {
  func.func @_lin1p_body(%arg0: i32, %arg1: memref<512x128xf32, #tpu.memory_space<vmem>>, %arg2: memref<128x128xf32, #tpu.memory_space<vmem>>, %arg3: memref<1x128xf32, #tpu.memory_space<vmem>>, %arg4: memref<512x128xf32, #tpu.memory_space<vmem>>) attributes {dimension_semantics = [#tpu.dimension_semantics<arbitrary>], iteration_bounds = array<i64: 25>, scalar_prefetch = 0 : i64, scratch_operands = 0 : i64, tpu.core_type = #tpu.core_type<tc>, window_params = [{transform_indices = @transform_0, window_bounds = array<i64: 512, 128>}, {pipeline_mode = #tpu.pipeline_mode<synchronous>, transform_indices = @transform_1, window_bounds = array<i64: 128, 128>}, {pipeline_mode = #tpu.pipeline_mode<synchronous>, transform_indices = @transform_2, window_bounds = array<i64: 1, 128>}, {transform_indices = @transform_3, window_bounds = array<i64: 512, 128>}]} {
    %get3A = arith.constant 0 : index
    %get3A_0 = arith.constant 0 : index
    %get3A_1 = vector.load %arg1[%get3A, %get3A_0] : memref<512x128xf32, #tpu.memory_space<vmem>>, vector<512x128xf32>
    %get3A_2 = arith.constant 0 : index
    %get3A_3 = arith.constant 0 : index
    %get3A_4 = vector.load %arg2[%get3A_2, %get3A_3] : memref<128x128xf32, #tpu.memory_space<vmem>>, vector<128x128xf32>
    %dot_general3A = arith.constant dense<0.000000e+00> : vector<512x128xf32>
    %dot_general3A_5 = tpu.matmul %get3A_1, %get3A_4, %dot_general3A {dimension_numbers = #tpu.dot_dimension_numbers<[1], [0], [0], [1], [0, 0, 1, 1], [], []>, transpose_lhs_hint = false} : vector<512x128xf32>, vector<128x128xf32>, vector<512x128xf32> -> vector<512x128xf32>
    %get3A_6 = arith.constant 0 : index
    %get3A_7 = arith.constant 0 : index
    %get3A_8 = vector.load %arg3[%get3A_6, %get3A_7] : memref<1x128xf32, #tpu.memory_space<vmem>>, vector<1x128xf32>
    %add3A = vector.broadcast %get3A_8 : vector<1x128xf32> to vector<512x128xf32>
    %add3A_9 = arith.addf %dot_general3A_5, %add3A : vector<512x128xf32>
    %max3A = arith.constant 0.000000e+00 : f32
    %max3A_10 = vector.broadcast %max3A : f32 to vector<512x128xf32>
    %max3A_11 = arith.maximumf %add3A_9, %max3A_10 : vector<512x128xf32>
    %swap3A = arith.constant 0 : index
    %swap3A_12 = arith.constant 0 : index
    %swap3A_13 = vector.load %arg4[%swap3A, %swap3A_12] : memref<512x128xf32, #tpu.memory_space<vmem>>, vector<512x128xf32>
    tpu.vector_store %arg4[%swap3A, %swap3A_12], %max3A_11 {strides = array<i32>} : memref<512x128xf32, #tpu.memory_space<vmem>>, vector<512x128xf32>,
    return
  }
  func.func @transform_0(%arg0: i32) -> (i32, i32) {
    %c0_i32 = arith.constant 0 : i32
    %c0_i32_0 = arith.constant 0 : i32
    return %arg0, %c0_i32 : i32, i32
  }
  func.func @transform_1(%arg0: i32) -> (i32, i32) {
    %c0_i32 = arith.constant 0 : i32
    %c0_i32_0 = arith.constant 0 : i32
    %c0_i32_1 = arith.constant 0 : i32
    return %c0_i32, %c0_i32_0 : i32, i32
  }
  func.func @transform_2(%arg0: i32) -> (i32, i32) {
    %c0_i32 = arith.constant 0 : i32
    %c0_i32_0 = arith.constant 0 : i32
    %c0_i32_1 = arith.constant 0 : i32
    return %c0_i32, %c0_i32_0 : i32, i32
  }
  func.func @transform_3(%arg0: i32) -> (i32, i32) {
    %c0_i32 = arith.constant 0 : i32
    %c0_i32_0 = arith.constant 0 : i32
    return %arg0, %c0_i32 : i32, i32
  }
}

module attributes {stable_mosaic.version = 14 : i64} {
  func.func @_combinep_body(%arg0: i32, %arg1: memref<512x128xf32, #tpu.memory_space<vmem>>, %arg2: memref<2x512x128xf32, #tpu.memory_space<vmem>>, %arg3: memref<512x128xf32, #tpu.memory_space<vmem>>, %arg4: memref<128x256xf32, #tpu.memory_space<vmem>>, %arg5: memref<1x256xf32, #tpu.memory_space<vmem>>, %arg6: memref<128x256xf32, #tpu.memory_space<vmem>>, %arg7: memref<256x256xf32, #tpu.memory_space<vmem>>, %arg8: memref<1x256xf32, #tpu.memory_space<vmem>>, %arg9: memref<512x256xf32, #tpu.memory_space<vmem>>) attributes {dimension_semantics = [#tpu.dimension_semantics<arbitrary>], iteration_bounds = array<i64: 25>, scalar_prefetch = 0 : i64, scratch_operands = 0 : i64, tpu.core_type = #tpu.core_type<tc>, window_params = [{transform_indices = @transform_0, window_bounds = array<i64: 512, 128>}, {transform_indices = @transform_1, window_bounds = array<i64: 2, 512, 128>}, {transform_indices = @transform_2, window_bounds = array<i64: 512, 128>}, {pipeline_mode = #tpu.pipeline_mode<synchronous>, transform_indices = @transform_3, window_bounds = array<i64: 128, 256>}, {pipeline_mode = #tpu.pipeline_mode<synchronous>, transform_indices = @transform_4, window_bounds = array<i64: 1, 256>}, {pipeline_mode = #tpu.pipeline_mode<synchronous>, transform_indices = @transform_5, window_bounds = array<i64: 128, 256>}, {pipeline_mode = #tpu.pipeline_mode<synchronous>, transform_indices = @transform_6, window_bounds = array<i64: 256, 256>}, {pipeline_mode = #tpu.pipeline_mode<synchronous>, transform_indices = @transform_7, window_bounds = array<i64: 1, 256>}, {transform_indices = @transform_8, window_bounds = array<i64: 512, 256>}]} {
    %get3A = arith.constant 0 : index
    %get3A_0 = arith.constant 0 : index
    %get3A_1 = arith.constant 0 : index
    %get3A_2 = vector.load %arg2[%get3A, %get3A_0, %get3A_1] : memref<2x512x128xf32, #tpu.memory_space<vmem>>, vector<1x512x128xf32>
    %get3A_3 = vector.shape_cast %get3A_2 : vector<1x512x128xf32> to vector<512x128xf32>
    %get3A_4 = arith.constant 1 : index
    %get3A_5 = arith.constant 0 : index
    %get3A_6 = arith.constant 0 : index
    %get3A_7 = vector.load %arg2[%get3A_4, %get3A_5, %get3A_6] : memref<2x512x128xf32, #tpu.memory_space<vmem>>, vector<1x512x128xf32>
    %get3A_8 = vector.shape_cast %get3A_7 : vector<1x512x128xf32> to vector<512x128xf32>
    %add3A = arith.addf %get3A_3, %get3A_8 : vector<512x128xf32>
    %get3A_9 = arith.constant 0 : index
    %get3A_10 = arith.constant 0 : index
    %get3A_11 = vector.load %arg3[%get3A_9, %get3A_10] : memref<512x128xf32, #tpu.memory_space<vmem>>, vector<512x128xf32>
    %max3A = arith.constant 1.000000e+00 : f32
    %max3A_12 = vector.broadcast %max3A : f32 to vector<512x128xf32>
    %max3A_13 = arith.maximumf %get3A_11, %max3A_12 : vector<512x128xf32>
    %div3A = arith.divf %add3A, %max3A_13 : vector<512x128xf32>
    %get3A_14 = arith.constant 0 : index
    %get3A_15 = arith.constant 0 : index
    %get3A_16 = vector.load %arg4[%get3A_14, %get3A_15] : memref<128x256xf32, #tpu.memory_space<vmem>>, vector<128x256xf32>
    %dot_general3A = arith.constant dense<0.000000e+00> : vector<512x256xf32>
    %dot_general3A_17 = tpu.matmul %div3A, %get3A_16, %dot_general3A {dimension_numbers = #tpu.dot_dimension_numbers<[1], [0], [0], [1], [0, 0, 1, 1], [], []>, transpose_lhs_hint = false} : vector<512x128xf32>, vector<128x256xf32>, vector<512x256xf32> -> vector<512x256xf32>
    %get3A_18 = arith.constant 0 : index
    %get3A_19 = arith.constant 0 : index
    %get3A_20 = vector.load %arg5[%get3A_18, %get3A_19] : memref<1x256xf32, #tpu.memory_space<vmem>>, vector<1x256xf32>
    %add3A_21 = vector.broadcast %get3A_20 : vector<1x256xf32> to vector<512x256xf32>
    %add3A_22 = arith.addf %dot_general3A_17, %add3A_21 : vector<512x256xf32>
    %get3A_23 = arith.constant 0 : index
    %get3A_24 = arith.constant 0 : index
    %get3A_25 = vector.load %arg1[%get3A_23, %get3A_24] : memref<512x128xf32, #tpu.memory_space<vmem>>, vector<512x128xf32>
    %get3A_26 = arith.constant 0 : index
    %get3A_27 = arith.constant 0 : index
    %get3A_28 = vector.load %arg6[%get3A_26, %get3A_27] : memref<128x256xf32, #tpu.memory_space<vmem>>, vector<128x256xf32>
    %dot_general3A_29 = arith.constant dense<0.000000e+00> : vector<512x256xf32>
    %dot_general3A_30 = tpu.matmul %get3A_25, %get3A_28, %dot_general3A_29 {dimension_numbers = #tpu.dot_dimension_numbers<[1], [0], [0], [1], [0, 0, 1, 1], [], []>, transpose_lhs_hint = false} : vector<512x128xf32>, vector<128x256xf32>, vector<512x256xf32> -> vector<512x256xf32>
    %add3A_31 = arith.addf %add3A_22, %dot_general3A_30 : vector<512x256xf32>
    %max3A_32 = arith.constant 0.000000e+00 : f32
    %max3A_33 = vector.broadcast %max3A_32 : f32 to vector<512x256xf32>
    %max3A_34 = arith.maximumf %add3A_31, %max3A_33 : vector<512x256xf32>
    %get3A_35 = arith.constant 0 : index
    %get3A_36 = arith.constant 0 : index
    %get3A_37 = vector.load %arg7[%get3A_35, %get3A_36] : memref<256x256xf32, #tpu.memory_space<vmem>>, vector<256x256xf32>
    %dot_general3A_38 = arith.constant dense<0.000000e+00> : vector<512x256xf32>
    %dot_general3A_39 = tpu.matmul %max3A_34, %get3A_37, %dot_general3A_38 {dimension_numbers = #tpu.dot_dimension_numbers<[1], [0], [0], [1], [0, 0, 1, 1], [], []>, transpose_lhs_hint = false} : vector<512x256xf32>, vector<256x256xf32>, vector<512x256xf32> -> vector<512x256xf32>
    %get3A_40 = arith.constant 0 : index
    %get3A_41 = arith.constant 0 : index
    %get3A_42 = vector.load %arg8[%get3A_40, %get3A_41] : memref<1x256xf32, #tpu.memory_space<vmem>>, vector<1x256xf32>
    %add3A_43 = vector.broadcast %get3A_42 : vector<1x256xf32> to vector<512x256xf32>
    %add3A_44 = arith.addf %dot_general3A_39, %add3A_43 : vector<512x256xf32>
    %swap3A = arith.constant 0 : index
    %swap3A_45 = arith.constant 0 : index
    %swap3A_46 = vector.load %arg9[%swap3A, %swap3A_45] : memref<512x256xf32, #tpu.memory_space<vmem>>, vector<512x256xf32>
    tpu.vector_store %arg9[%swap3A, %swap3A_45], %add3A_44 {strides = array<i32>} : memref<512x256xf32, #tpu.memory_space<vmem>>, vector<512x256xf32>,
    return
  }
  func.func @transform_0(%arg0: i32) -> (i32, i32) {
    %c0_i32 = arith.constant 0 : i32
    %c0_i32_0 = arith.constant 0 : i32
    return %arg0, %c0_i32 : i32, i32
  }
  func.func @transform_1(%arg0: i32) -> (i32, i32, i32) {
    %c0_i32 = arith.constant 0 : i32
    %c0_i32_0 = arith.constant 0 : i32
    %c0_i32_1 = arith.constant 0 : i32
    return %c0_i32, %arg0, %c0_i32_0 : i32, i32, i32
  }
  func.func @transform_2(%arg0: i32) -> (i32, i32) {
    %c0_i32 = arith.constant 0 : i32
    %c0_i32_0 = arith.constant 0 : i32
    return %arg0, %c0_i32 : i32, i32
  }
  func.func @transform_3(%arg0: i32) -> (i32, i32) {
    %c0_i32 = arith.constant 0 : i32
    %c0_i32_0 = arith.constant 0 : i32
    %c0_i32_1 = arith.constant 0 : i32
    return %c0_i32, %c0_i32_0 : i32, i32
  }
  func.func @transform_4(%arg0: i32) -> (i32, i32) {
    %c0_i32 = arith.constant 0 : i32
    %c0_i32_0 = arith.constant 0 : i32
    %c0_i32_1 = arith.constant 0 : i32
    return %c0_i32, %c0_i32_0 : i32, i32
  }
  func.func @transform_5(%arg0: i32) -> (i32, i32) {
    %c0_i32 = arith.constant 0 : i32
    %c0_i32_0 = arith.constant 0 : i32
    %c0_i32_1 = arith.constant 0 : i32
    return %c0_i32, %c0_i32_0 : i32, i32
  }
  func.func @transform_6(%arg0: i32) -> (i32, i32) {
    %c0_i32 = arith.constant 0 : i32
    %c0_i32_0 = arith.constant 0 : i32
    %c0_i32_1 = arith.constant 0 : i32
    return %c0_i32, %c0_i32_0 : i32, i32
  }
  func.func @transform_7(%arg0: i32) -> (i32, i32) {
    %c0_i32 = arith.constant 0 : i32
    %c0_i32_0 = arith.constant 0 : i32
    %c0_i32_1 = arith.constant 0 : i32
    return %c0_i32, %c0_i32_0 : i32, i32
  }
  func.func @transform_8(%arg0: i32) -> (i32, i32) {
    %c0_i32 = arith.constant 0 : i32
    %c0_i32_0 = arith.constant 0 : i32
    return %arg0, %c0_i32 : i32, i32
  }
}

</mosaic_0001>

<sc_bundles>
// kernel: kernel.5.cloned.1.call-start
scs
__scs_entry_jumppad:
0x0: {  	(pc) =	sbr.rel $0x88, $3  }
0x1: {  	(tag) =	ssettag $0x0;
	lr =	simm.s32 $0x1  }
0x2: {  	[smem:$0x3F98] =	sst lr;
	_ =	strace $0xD0000000  }
0x3: {  	_ = 	snop  }
0x4: {  	_ = 	snop  }
0x5: {  	_ = 	snop  }
0x6: {  	_ = 	snop  }
0x7: {  	_ = 	snop  }
__scs_overlays_trampoline_lowered:
0x8: {  	[smem:$0x3FA7] =	sst s0  }
0x9: {  	[smem:$0x3FA8] =	sst s1  }
0xa: {  	[smem:$0x3FA9] =	sst s2  }
0xb: {  	[smem:$0x3FAA] =	sst s3  }
0xc: {  	[smem:$0x3FAB] =	sst s4  }
0xd: {  	[smem:$0x3FAC] =	sst s5  }
0xe: {  	[smem:$0x3FAD] =	sst s6  }
0xf: {  	[smem:$0x3FAE] =	sst s7  }
0x10: {  	[smem:$0x3FAF] =	sst s8  }
0x11: {  	[smem:$0x3FB0] =	sst s9;
	s0 =	simm.s32 @!p0 $0x0  }
0x12: {  	s1 =	sld [smem:$0x3F96];
	s0 =	simm.s32 @p0 $0x1  }
0x13: {  	[smem:$0x3FB1] =	sst s0;
	s0 =	simm.s32 @!p1 $0x0  }
0x14: {  	s2 =	sld [smem:$0x3F95];
	s0 =	simm.s32 @p1 $0x1  }
0x15: {  	[smem:$0x3FB2] =	sst s0;
	s0 =	simm.s32 @!p2 $0x0  }
0x16: {  	s3 =	sld [smem:$0x3FDB];
	s0 =	simm.s32 @p2 $0x1  }
0x17: {  	s4 =	simm.s32 $0x1BF5;
	[smem:$0x3FB4] =	sst s0  }
0x18: {  	s0 =	sld [smem:$0x3F97];
	_ =	swait.ge [sflag:s4], $0x0  }
0x19: {  	s7 =	sld [smem:$0x3F98]  }
0x1a: {  	s8 =	sadd.s32 $0xFFFFE003, lr  }
0x1b: {  	s9 =	sadd.s32 $0xFFFFFEF7, lr;
	s5 =	simm.s32 $0xFFFFFFFF;
	p2 =	slt.u32 s8, $0xFFFFF086  }
0x1c: {  	p1 =	slt.u32 s9, $0xF7A;
	s5 =	simm.s32 @!p2 $0x0  }
0x1d: {  	s5 =	simm.s32 @p1 $0x1;
	p0 =	seq.s32 s7, s2  }
0x1e: {  	s7 =	smul.u32 @!p0 $0xF7A, s2;
	p2 =	seq.s32 @!p0 s5, $0x0  }
0x1f: {  	s9 =	smul.u32 $0xF7A, s1;
	s8 =	simm.s32 @!p0 $0x1BF5;
	p2 =	por !p2, p0  }
0x20: {  	[sflag:s8] =	ssyncset.s32 @!p0 $0xFFFFF086;
	s6 =	sadd.s32 @!p0 s3, s7;
	s7 =	simm.s32 @!p0 $0x108  }
0x21: {  	s3 =	sadd.s32 s3, s9;
	s6 =	sadd.s32 @!p0 $0x88, s6;
	s7 =	simm.s32 @p2 $0x1082  }
0x22: {  	[simem:s7], [sflag:s8] =	dma.local @!p0 [hbm:s6], $0xF7A  }
0x23: {  	s9 =	sor.u32 $0xD0000000, s2;
	s6 =	simm.s32 $0x108;
	_ =	swait.ge @!p0 [sflag:s8], $0x0  }
0x24: {  	s3 =	sadd.s32 $0x88, s3;
	s6 =	simm.s32 @!p1 $0x1082;
	[sflag:s4] =	ssyncset.s32 $0xFFFFF086  }
0x25: {  	[simem:s6], [sflag:s4] =	dma.local [hbm:s3], $0xF7A  }
0x26: {  	[smem:$0x3F98] =	sst s1;
	(tag) =	ssettag s2;
	_ =	strace s9  }
0x27: {  	s1 =	sld [smem:$0x3FA8]  }
0x28: {  	s2 =	sld [smem:$0x3FA9]  }
0x29: {  	s4 =	sld [smem:$0x3FAB]  }
0x2a: {  	p0 =	seq.s32 s5, $0x0;
	s5 =	sld [smem:$0x3FAC]  }
0x2b: {  	s6 =	sld [smem:$0x3FAD]  }
0x2c: {  	s7 =	sld [smem:$0x3FAE]  }
0x2d: {  	s3 =	simm.s32 $0x108;
	s8 =	sld [smem:$0x3FAF]  }
0x2e: {  	s3 =	simm.s32 @!p0 $0x1082;
	s9 =	sld [smem:$0x3FB0]  }
0x2f: {  	lr =	sadd.s32 s0, s3;
	s0 =	sld [smem:$0x3FA7]  }
0x30: {  	s3 =	sld [smem:$0x3FAA]  }
0x31: {  	[smem:$0x3FB3] =	sst s10  }
0x32: {  	s10 =	sld [smem:$0x3FB1];
	_ =	sdelay $0x3  }
0x33: {  	p0 =	seq.s32 s10, $0x1;
	s10 =	sld [smem:$0x3FB3];
	_ =	sdelay $0x3  }
0x34: {  	[smem:$0x3FB3] =	sst s10  }
0x35: {  	s10 =	sld [smem:$0x3FB2];
	_ =	sdelay $0x3  }
0x36: {  	p1 =	seq.s32 s10, $0x1;
	s10 =	sld [smem:$0x3FB3];
	_ =	sdelay $0x3  }
0x37: {  	[smem:$0x3FB3] =	sst s10  }
0x38: {  	s10 =	sld [smem:$0x3FB4]  }
0x39: {  	_ = 	snop;
	(pc) =	sbr.ind lr, $3  }
0x3a: {  	_ = 	snop  }
0x3b: {  	_ = 	snop  }
0x3c: {  	p2 =	seq.s32 s10, $0x1;
	s10 =	sld [smem:$0x3FB3]  }
0x3d: {  	_ =	shalt  }
0x3e: {  	_ =	shalt  }
0x3f: {  	_ =	shalt  }
0x40: {  	_ =	shalt  }
0x41: {  	_ =	shalt  }
0x42: {  	_ =	shalt  }
0x43: {  	_ =	shalt  }
0x44: {  	_ =	shalt  }
0x45: {  	_ =	shalt  }
0x46: {  	_ =	shalt  }
0x47: {  	_ =	shalt  }
0x48: {  	_ =	shalt  }
0x49: {  	_ =	shalt  }
0x4a: {  	_ =	shalt  }
0x4b: {  	_ =	shalt  }
0x4c: {  	_ =	shalt  }
0x4d: {  	_ =	shalt  }
0x4e: {  	_ =	shalt  }
0x4f: {  	_ =	shalt  }
0x50: {  	_ =	shalt  }
0x51: {  	_ =	shalt  }
0x52: {  	_ =	shalt  }
0x53: {  	_ =	shalt  }
0x54: {  	_ =	shalt  }
0x55: {  	_ =	shalt  }
0x56: {  	_ =	shalt  }
0x57: {  	_ =	shalt  }
0x58: {  	_ =	shalt  }
0x59: {  	_ =	shalt  }
0x5a: {  	_ =	shalt  }
0x5b: {  	_ =	shalt  }
0x5c: {  	_ =	shalt  }
0x5d: {  	_ =	shalt  }
0x5e: {  	_ =	shalt  }
0x5f: {  	_ =	shalt  }
0x60: {  	_ =	shalt  }
0x61: {  	_ =	shalt  }
0x62: {  	_ =	shalt  }
0x63: {  	_ =	shalt  }
0x64: {  	_ =	shalt  }
0x65: {  	_ =	shalt  }
0x66: {  	_ =	shalt  }
0x67: {  	_ =	shalt  }
0x68: {  	_ =	shalt  }
0x69: {  	_ =	shalt  }
0x6a: {  	_ =	shalt  }
0x6b: {  	_ =	shalt  }
0x6c: {  	_ =	shalt  }
0x6d: {  	_ =	shalt  }
0x6e: {  	_ =	shalt  }
0x6f: {  	_ =	shalt  }
0x70: {  	_ =	shalt  }
0x71: {  	_ =	shalt  }
0x72: {  	_ =	shalt  }
0x73: {  	_ =	shalt  }
0x74: {  	_ =	shalt  }
0x75: {  	_ =	shalt  }
0x76: {  	_ =	shalt  }
0x77: {  	_ =	shalt  }
0x78: {  	_ =	shalt  }
0x79: {  	_ =	shalt  }
0x7a: {  	_ =	shalt  }
0x7b: {  	_ =	shalt  }
0x7c: {  	_ =	shalt  }
0x7d: {  	_ =	shalt  }
0x7e: {  	_ =	shalt  }
0x7f: {  	_ =	shalt  }
0x80: {  	_ =	shalt  }
0x81: {  	_ =	shalt  }
0x82: {  	_ =	shalt  }
0x83: {  	_ =	shalt  }
0x84: {  	_ =	shalt  }
0x85: {  	_ =	shalt  }
0x86: {  	_ =	shalt  }
0x87: {  	_ =	shalt  }
.Lfunc_end0:
.L_simem_size_0:
called_computation_lowered:
.L_overlay_start_0:
0x88: {  	s2 =	sld [smem:$0x3FD9]  }
0x89: {  	s3 =	sld [smem:$0x3FFE];
	_ =	sdelay $0x1  }
0x8a: {  	s1 =	srdreg.scid  }
0x8b: {  	s0 =	sand.u32 $0x1, s1  }
0x8c: {  	s17 =	sshll.u32 s0, $0xA;
	s2 =	sadd.s32 s3, s2  }
0x8d: {  	s2 =	sadd.s32 s2, s17  }
0x8e: {  	[smem:$0x3FBF] =	sst s2  }
0x8f: {  	_ = 	snop  }
0x90: {  	s2 =	sld [smem:$0x3FD0];
	(tm) =	ssettm $0x1  }
0x91: {  	s18 =	sld [smem:$0x3FFB];
	_ =	sdelay $0x3  }
0x92: {  	_ =	strace s18  }
0x93: {  	s3 =	sld [smem:$0x3FFC];
	_ =	sdelay $0x3  }
0x94: {  	_ =	strace s3  }
0x95: {  	s3 =	sld [smem:$0x3FFD];
	_ =	sdelay $0x3  }
0x96: {  	_ =	strace s3  }
0x97: {  	_ =	strace $0x8FFFFFFF  }
0x98: {  	s19 =	sld [smem:$0x3FDB];
	_ =	sdelay $0x1  }
0x99: {  	s4 =	simm.s32 $_scs_section_size  }
0x9a: {  	s5 =	simm.s32 $_size__tile_overlayer_lowered;
	s6 =	simm.s32 $_tile_overlayer_lowered  }
0x9b: {  	s22 =	simm.s32 $0x1BFF;
	s21 =	sshll.u32 s6, $0x1;
	s3 =	sadd.s32 s4, s19  }
0x9c: {  	s7 =	simm.s32 $0x0;
	s20 =	sshll.u32 s5, $0x1;
	s5 =	sadd.s32 s21, s3  }
0x9d: {  	[timem:s7], [sflag:s22] =	dma.local [hbm:s5], s20  }
0x9e: {  	_ =	swait.ge [sflag:s22], s20  }
0x9f: {  	s4 =	ssub.s32 $0x0, s20;
	[sflag:s22] =	ssyncset.done $0x0  }
0xa0: {  	[sflag:s22] =	ssyncadd.s32 s4;
	_ =	sdelay $0x1  }
0xa1: {  	s23 =	simm.s32 $0x1B8B  }
0xa2: {  	_ =	swait.ge [sflag:s23], $0x1  }
0xa3: {  	[sflag:s23] =	ssyncset.done $0x0  }
0xa4: {  	s25 =	simm.s32 $0x1B8E;
	s24 =	sld [smem:$0x3FFE];
	[sflag:s23] =	ssyncadd.s32 $0xFFFFFFFF  }
0xa5: {  	s26 =	simm.s32 $execute0_lowered;
	[smem:$0x3FD2] =	sst s25  }
0xa6: {  	s5 =	sshll.u32 s26, $0x1;
	_ =	strace $0x80000046;
	[dreg:$0x1] =	wrdreg $0xFFFFFFFF  }
0xa7: {  	s28 =	simm.s32 $_size_execute0_lowered;
	s3 =	sadd.s32 s3, s5;
	[dreg:$0x0] =	wrdreg $0x0  }
0xa8: {  	s5 =	sshll.u32 s28, $0x1;
	[dreg:$0x2] =	wrdreg s3  }
0xa9: {  	[dreg:$0x3] =	wrdreg s5  }
0xaa: {  	[dreg:$0x4] =	wrdreg $0xC0  }
0xab: {  	_ =	task [dreg:s7], $0x5FFFF  }
0xac: {  	[dreg:$0x1] =	wrdreg $0xFFFFFFFF  }
0xad: {  	[dreg:$0x0] =	wrdreg $0x60  }
0xae: {  	[dreg:$0x2] =	wrdreg s2  }
0xaf: {  	[dreg:$0x3] =	wrdreg s24  }
0xb0: {  	[dreg:$0x4] =	wrdreg $0x0  }
0xb1: {  	[dreg:$0x5] =	wrdreg $0x190000  }
0xb2: {  	[dreg:$0x6] =	wrdreg $0x9  }
0xb3: {  	_ =	task.clear_ibuf [dreg:s7], $0x7FFFF;
	_ =	strace $0x90000046  }
0xb4: {  	s29 =	simm.s32 $0x9;
	_ =	strace $0x80000048  }
0xb5: {  	_ =	swait.ge [sflag:s29], $0x1  }
0xb6: {  	[sflag:s29] =	ssyncadd.s32 $0xFFFFFFFF  }
0xb7: {  	_ =	strace $0x90000048  }
0xb8: {  	_ =	sfence  }
0xb9: {  	s30 =	sld [smem:$0x0];
	_ =	sdelay $0x2  }
0xba: {  	s31 =	sshll.u32 s1, $0xD;
	s1 =	sshrl.u32 s1, $0x2  }
0xbb: {  	s3 =	sand.u32 $0x4000, s31;
	s1 =	sadd.s32 s1, s30  }
0xbc: {  	s0 =	sor.u32 s3, s0;
	s1 =	sshll.u32 s1, $0x11  }
0xbd: {  	s0 =	sor.u32 s1, s0  }
0xbe: {  	s0 =	sadd.s32 $0x8F2B, s0  }
0xbf: {  	[sflag:s0] =	ssyncadd.remote.s32 $0x1  }
0xc0: {  	_ =	sfence.sel $0xFFFF  }
0xc1: {  	[dreg:$0x0] =	wrdreg $0xFFFFFFFF;
	(pc) =	sbr.abs _section_cstart, $3  }
0xc2: {  	[dreg:$0x1] =	wrdreg $0xFFFFFFFF  }
0xc3: {  	_ =	task.clear_ibuf [dreg:s7], $0x2FFFF;
	_ =	strace $0x9FFFFFFF  }
0xc4: {  	(tm) =	ssettm $0x7FFFFFFF  }
0xc5: {  	_ =	shalt  }
tec
execute0_lowered:
.L_overlay_start_1:
0x0: {  	(tag) =	ssettag $0x1  }
0x1: {  	s0 =	rddreg [dreg:$0x0]  }
0x2: {  	s1 =	rddreg [dreg:$0x1]  }
0x3: {  	s2 =	srdreg.scid;
	s3 =	rddreg [dreg:$0x2]  }
0x4: {  	s11 =	stileid.u32;
	s4 =	rddreg [dreg:$0x3]  }
0x5: {  	s5 =	simm.s32 $0x0;
	s30 =	simm.s32 $0x1EC30;
	s7 =	smul.u32 $0x19000, s11  }
0x6: {  	s2 =	sand.u32 $0x1, s2;
	[smem:$0x7FF] =	sst s5;
	s9 =	smul.u32 $0x1900, s11  }
0x7: {  	s12 =	sadd.s32 $0x67800, s1;
	s23 =	sadd.s32 $0x64400, s1;
	s17 =	smul.u32 $0x186A, s11  }
0x8: {  	s24 =	sadd.s32 $0x67600, s1;
	s26 =	sshll.u32 s11, $0x6;
	s6 =	smul.u32 $0x186A0, s2  }
0x9: {  	s8 =	smul.u32 $0x190000, s2;
	_ =	strace $0x80000047;
	[dreg:$0x5] =	wrdreg s12  }
0xa: {  	s10 =	smul.u32 $0x19000, s2;
	[dreg:$0x6] =	wrdreg s23;
	s2 =	ssub.s32 $0x2, s2  }
0xb: {  	[dreg:$0x7] =	wrdreg s24;
	s31 =	sor.u32 $0x1C03, s26;
	s25 =	sshrl.u32 s2, $0x1  }
0xc: {  	[dreg:$0xa] =	wrdreg s31;
	s31 =	simm.s32 $0x0;
	s8 =	sadd.s32 s7, s8  }
0xd: {  	s10 =	sadd.s32 s9, s10;
	s7 =	sadd.s32 s7, s3;
	[dreg:$0x1c] =	wrdreg s31  }
0xe: {  	s2 =	ssub.s32 s2, s25;
	s9 =	sadd.s32 s9, s4;
	[dreg:$0x9] =	wrdreg s7  }
0xf: {  	s11 =	simm.s32 $0x1B580;
	s2 =	smax.u32 s2, $0x1;
	[dreg:$0x8] =	wrdreg s9  }
0x10: {  	s6 =	sadd.s32 s6, s1;
	s23 =	sadd.s32 $0xC80, s9;
	[dreg:$0x16] =	wrdreg s2  }
0x11: {  	s8 =	sshrl.u32 s8, $0x3;
	s13 =	sadd.s32 $0x320, s9;
	[dreg:$0x18] =	wrdreg s23  }
0x12: {  	s10 =	sshrl.u32 s10, $0x3;
	s26 =	sadd.s32 $0x960, s9;
	[dreg:$0xb] =	wrdreg s13  }
0x13: {  	s22 =	sadd.s32 s17, s6;
	s28 =	sadd.s32 $0x12C0, s9;
	[dreg:$0x17] =	wrdreg s26  }
0x14: {  	s29 =	sadd.s32 $0x15E0, s9;
	s8 =	sadd.s32 s8, s1;
	[dreg:$0x1a] =	wrdreg s28  }
0x15: {  	s1 =	sadd.s32 s10, s1;
	s10 =	sadd.s32 $0x640, s9;
	[dreg:$0x1b] =	wrdreg s29  }
0x16: {  	s6 =	simm.s32 $0x1EAA0;
	[dreg:$0xc] =	wrdreg s10;
	s12 =	sadd.s32 $0x6DE00, s8  }
0x17: {  	s7 =	simm.s32 $0x1A900;
	s14 =	sadd.s32 $0x67A00, s1;
	[dreg:$0xd] =	wrdreg s12  }
0x18: {  	s17 =	simm.s32 $0x1;
	s15 =	sadd.s32 $0x67A64, s1;
	[dreg:$0xe] =	wrdreg s14  }
0x19: {  	s24 =	sadd.s32 $0x33600, s22;
	s16 =	sadd.s32 $0x67AC8, s1;
	[dreg:$0xf] =	wrdreg s15  }
0x1a: {  	s25 =	sadd.s32 $0x2800, s22;
	s18 =	sadd.s32 $0x67B2C, s1;
	[dreg:$0x10] =	wrdreg s16  }
0x1b: {  	s2 =	simm.s32 $0x3;
	s19 =	sadd.s32 $0x67B90, s1;
	[dreg:$0x11] =	wrdreg s18  }
0x1c: {  	s22 =	simm.s32 $0x1B3F0;
	s20 =	sadd.s32 $0x67BF4, s1;
	[dreg:$0x12] =	wrdreg s19  }
0x1d: {  	s23 =	simm.s32 $0x1AF40;
	s21 =	sadd.s32 $0x67C58, s1;
	[dreg:$0x13] =	wrdreg s20  }
0x1e: {  	s1 =	sadd.s32 $0x67CBC, s1;
	s8 =	simm.s32 $0x1B0D0;
	[dreg:$0x14] =	wrdreg s21  }
0x1f: {  	s10 =	simm.s32 $0x190;
	[dreg:$0x15] =	wrdreg s1;
	s1 =	sadd.s32 $0xFA0, s9  }
0x20: {  	s14 =	simm.s32 $0x1B8A0;
	s15 =	simm.s32 $0x1AA90;
	s16 =	simm.s32 $0x1D1A0  }
0x21: {  	s18 =	simm.s32 $0x1AC20;
	s19 =	simm.s32 $0x2;
	s20 =	simm.s32 $0x1B260  }
0x22: {  	s21 =	simm.s32 $0x1ADB0;
	s12 =	simm.s32 $0x1B710;
	[dreg:$0x19] =	wrdreg s1  }
.LBB2_1:
0x23: {  	s9 =	rddreg [dreg:$0x9]  }
0x24: {  	s1 =	smov.u32 s13;
	s13 =	rddreg [dreg:$0xa]  }
0x25: {  	s31 =	sshrl.u32 s9, $0x3;
	s9 =	rddreg [dreg:$0x6]  }
0x26: {  	[dreg:$0x1d] =	wrdreg s31  }
0x27: {  	[spmem:s31], [sflag:s13] =	dma.local [hbm:s9], $0x3200  }
0x28: {  	_ =	swait.ge [sflag:s2], $0x3200  }
0x29: {  	[sflag:s2] =	ssyncset.done $0x0  }
0x2a: {  	s13 =	rddreg [dreg:$0x7];
	[sflag:s2] =	ssyncadd.s32 $0xFFFFCE00  }
0x2b: {  	[tilespmem:s30], [sflag:$0x3] =	stream.linear.gather [hbm4b:s13+s5], $0x320, $0x38;
	[tilespmem:$0x1EF50] =	vst v63  }
0x2c: {  	_ =	swait.ge [sflag:s2], $0x320  }
0x2d: {  	[sflag:s2] =	ssyncset.done $0x0  }
0x2e: {  	s31 =	rddreg [dreg:$0x8];
	[sflag:s2] =	ssyncadd.s32 $0xFFFFFCE0  }
0x2f: {  	[spmem:s31] =	stream.linear.scatter [tilespmem:s30], [sflag:$0x3], $0x320, $0x38;
	[tilespmem:$0x1EF50] =	vst v63  }
0x30: {  	_ =	swait.ge [sflag:s2], $0x320  }
0x31: {  	[sflag:s2] =	ssyncset.done $0x0  }
0x32: {  	[sflag:s2] =	ssyncadd.s32 $0xFFFFFCE0  }
0x33: {  	[spmem:s1] =	stream.linear.scatter [tilespmem:s30], [sflag:$0x3], $0x320, $0x38;
	[tilespmem:$0x1EF50] =	vst v63  }
0x34: {  	_ =	swait.ge [sflag:s2], $0x320  }
0x35: {  	[sflag:s2] =	ssyncset.done $0x0  }
0x36: {  	s9 =	rddreg [dreg:$0xc];
	[sflag:s2] =	ssyncadd.s32 $0xFFFFFCE0  }
0x37: {  	[spmem:s9] =	stream.linear.scatter [tilespmem:s30], [sflag:$0x3], $0x320, $0x38;
	[tilespmem:$0x1EF50] =	vst v63  }
0x38: {  	_ =	swait.ge [sflag:s2], $0x320  }
0x39: {  	[sflag:s2] =	ssyncset.done $0x0  }
0x3a: {  	[sflag:s2] =	ssyncadd.s32 $0xFFFFFCE0  }
0x3b: {  	[spmem:s26] =	stream.linear.scatter [tilespmem:s30], [sflag:$0x3], $0x320, $0x38;
	[tilespmem:$0x1EF50] =	vst v63  }
0x3c: {  	_ =	swait.ge [sflag:s2], $0x320  }
0x3d: {  	[sflag:s2] =	ssyncset.done $0x0  }
0x3e: {  	s13 =	rddreg [dreg:$0x18];
	[sflag:s2] =	ssyncadd.s32 $0xFFFFFCE0  }
0x3f: {  	[spmem:s13] =	stream.linear.scatter [tilespmem:s30], [sflag:$0x3], $0x320, $0x38;
	[tilespmem:$0x1EF50] =	vst v63  }
0x40: {  	_ =	swait.ge [sflag:s2], $0x320  }
0x41: {  	[sflag:s2] =	ssyncset.done $0x0  }
0x42: {  	s26 =	rddreg [dreg:$0x19];
	[sflag:s2] =	ssyncadd.s32 $0xFFFFFCE0  }
0x43: {  	[spmem:s26] =	stream.linear.scatter [tilespmem:s30], [sflag:$0x3], $0x320, $0x38;
	[tilespmem:$0x1EF50] =	vst v63  }
0x44: {  	_ =	swait.ge [sflag:s2], $0x320  }
0x45: {  	[sflag:s2] =	ssyncset.done $0x0  }
0x46: {  	[sflag:s2] =	ssyncadd.s32 $0xFFFFFCE0  }
0x47: {  	[spmem:s28] =	stream.linear.scatter [tilespmem:s30], [sflag:$0x3], $0x320, $0x38;
	[tilespmem:$0x1EF50] =	vst v63  }
0x48: {  	_ =	swait.ge [sflag:s2], $0x320  }
0x49: {  	[sflag:s2] =	ssyncset.done $0x0  }
0x4a: {  	[sflag:s2] =	ssyncadd.s32 $0xFFFFFCE0  }
0x4b: {  	[spmem:s29] =	stream.linear.scatter [tilespmem:s30], [sflag:$0x3], $0x320, $0x38;
	[tilespmem:$0x1EF50] =	vst v63  }
0x4c: {  	_ =	swait.ge [sflag:s2], $0x320  }
0x4d: {  	[sflag:s2] =	ssyncset.done $0x0  }
0x4e: {  	s31 =	rddreg [dreg:$0x5];
	[sflag:s2] =	ssyncadd.s32 $0xFFFFFCE0  }
0x4f: {  	[tilespmem:s6], [sflag:$0x3] =	stream.linear.gather [hbm4b:s31+s5], $0x190, $0x38;
	[tilespmem:$0x1EF50] =	vst v63  }
0x50: {  	_ =	swait.ge [sflag:s2], $0x190  }
0x51: {  	[sflag:s2] =	ssyncset.done $0x0  }
0x52: {  	[sflag:s2] =	ssyncadd.s32 $0xFFFFFE70  }
0x53: {  	s28 =	sadd.s32 $0x0, s24;
	[bflag:$0x0] =	sbarrier.arrive $0xFFFF  }
0x54: {  	[tilespmem:s7], [sflag:$0x3] =	stream.linear.gather [hbm4b:s28+s5], $0x7D0, $0x38;
	[tilespmem:$0x1EF50] =	vst v63  }
0x55: {  	_ =	swait.ge [sflag:s2], $0x7D0  }
0x56: {  	[sflag:s2] =	ssyncset.done $0x0  }
0x57: {  	s28 =	sadd.s32 $0x0, s25;
	[sflag:s2] =	ssyncadd.s32 $0xFFFFF830  }
0x58: {  	[tilespmem:s8], [sflag:$0x3] =	stream.linear.gather [hbm4b:s28+s5], $0x7D0, $0x38;
	[tilespmem:$0x1EF50] =	vst v63  }
0x59: {  	_ =	swait.ge [sflag:s2], $0x7D0  }
0x5a: {  	[sflag:s2] =	ssyncset.done $0x0  }
0x5b: {  	[sflag:s2] =	ssyncadd.s32 $0xFFFFF830  }
0x5c: {  	[tilespmem:s14], [sflag:$0x1] =	stream.indirect.gather [hbm4b:s0+s10], $0x10, s7, s10, $0xb8;
	[tilespmem:$0x1EF50] =	vst v63  }
0x5d: {  	_ = 	snop  }
0x5e: {  	[tilespmem:s16], [sflag:$0x2] =	stream.indirect.gather [hbm4b:s0+s10], $0x10, s15, s10, $0xb8;
	[tilespmem:$0x1EF50] =	vst v63  }
0x5f: {  	_ =	swait.ge [sflag:s17], $0x1900  }
0x60: {  	[sflag:s17] =	ssyncset.done $0x0  }
0x61: {  	[sflag:s17] =	ssyncadd.s32 $0xFFFFE700  }
0x62: {  	[spmem:s3] =	stream.indirect.scatter.add.f32 [tilespmem:s14], [sflag:$0x3], $0x10, s8, s10, $0xb8;
	[tilespmem:$0x1EF50] =	vst v63  }
0x63: {  	_ =	swait.ge [sflag:s2], $0x1900  }
0x64: {  	[sflag:s2] =	ssyncset.done $0x0  }
0x65: {  	[sflag:s2] =	ssyncadd.s32 $0xFFFFE700  }
0x66: {  	[spmem:s4] =	stream.indirect.scatter.add.f32 [tilespmem:s6], [sflag:$0x3], $0x1, s8, s10, $0xb8;
	[tilespmem:$0x1EF50] =	vst v63  }
0x67: {  	_ =	swait.ge [sflag:s2], $0x190  }
0x68: {  	[sflag:s2] =	ssyncset.done $0x0  }
0x69: {  	[sflag:s2] =	ssyncadd.s32 $0xFFFFFE70  }
0x6a: {  	[tilespmem:s14], [sflag:$0x1] =	stream.indirect.gather [hbm4b:s0+s10], $0x10, s18, s10, $0xb8;
	[tilespmem:$0x1EF50] =	vst v63  }
0x6b: {  	_ =	swait.ge [sflag:s19], $0x1900  }
0x6c: {  	[sflag:s19] =	ssyncset.done $0x0  }
0x6d: {  	[sflag:s19] =	ssyncadd.s32 $0xFFFFE700  }
0x6e: {  	[spmem:s3] =	stream.indirect.scatter.add.f32 [tilespmem:s16], [sflag:$0x3], $0x10, s20, s10, $0xb8;
	[tilespmem:$0x1EF50] =	vst v63  }
0x6f: {  	_ =	swait.ge [sflag:s2], $0x1900  }
0x70: {  	[sflag:s2] =	ssyncset.done $0x0  }
0x71: {  	[sflag:s2] =	ssyncadd.s32 $0xFFFFE700  }
0x72: {  	[spmem:s4] =	stream.indirect.scatter.add.f32 [tilespmem:s6], [sflag:$0x3], $0x1, s20, s10, $0xb8;
	[tilespmem:$0x1EF50] =	vst v63  }
0x73: {  	_ =	swait.ge [sflag:s2], $0x190  }
0x74: {  	[sflag:s2] =	ssyncset.done $0x0  }
0x75: {  	[sflag:s2] =	ssyncadd.s32 $0xFFFFFE70  }
0x76: {  	[tilespmem:s16], [sflag:$0x2] =	stream.indirect.gather [hbm4b:s0+s10], $0x10, s21, s10, $0xb8;
	[tilespmem:$0x1EF50] =	vst v63  }
0x77: {  	_ =	swait.ge [sflag:s17], $0x1900  }
0x78: {  	[sflag:s17] =	ssyncset.done $0x0  }
0x79: {  	[sflag:s17] =	ssyncadd.s32 $0xFFFFE700  }
0x7a: {  	[spmem:s3] =	stream.indirect.scatter.add.f32 [tilespmem:s14], [sflag:$0x3], $0x10, s22, s10, $0xb8;
	[tilespmem:$0x1EF50] =	vst v63  }
0x7b: {  	_ =	swait.ge [sflag:s2], $0x1900  }
0x7c: {  	[sflag:s2] =	ssyncset.done $0x0  }
0x7d: {  	[sflag:s2] =	ssyncadd.s32 $0xFFFFE700  }
0x7e: {  	[spmem:s4] =	stream.indirect.scatter.add.f32 [tilespmem:s6], [sflag:$0x3], $0x1, s22, s10, $0xb8;
	[tilespmem:$0x1EF50] =	vst v63  }
0x7f: {  	_ =	swait.ge [sflag:s2], $0x190  }
0x80: {  	[sflag:s2] =	ssyncset.done $0x0  }
0x81: {  	[sflag:s2] =	ssyncadd.s32 $0xFFFFFE70  }
0x82: {  	[tilespmem:s14], [sflag:$0x1] =	stream.indirect.gather [hbm4b:s0+s10], $0x10, s23, s10, $0xb8;
	[tilespmem:$0x1EF50] =	vst v63  }
0x83: {  	_ =	swait.ge [sflag:s19], $0x1900  }
0x84: {  	[sflag:s19] =	ssyncset.done $0x0  }
0x85: {  	[sflag:s19] =	ssyncadd.s32 $0xFFFFE700  }
0x86: {  	[spmem:s3] =	stream.indirect.scatter.add.f32 [tilespmem:s16], [sflag:$0x3], $0x10, s11, s10, $0xb8;
	[tilespmem:$0x1EF50] =	vst v63  }
0x87: {  	_ =	swait.ge [sflag:s2], $0x1900  }
0x88: {  	[sflag:s2] =	ssyncset.done $0x0  }
0x89: {  	[sflag:s2] =	ssyncadd.s32 $0xFFFFE700  }
0x8a: {  	[spmem:s4] =	stream.indirect.scatter.add.f32 [tilespmem:s6], [sflag:$0x3], $0x1, s11, s10, $0xb8;
	[tilespmem:$0x1EF50] =	vst v63  }
0x8b: {  	_ =	swait.ge [sflag:s2], $0x190  }
0x8c: {  	[sflag:s2] =	ssyncset.done $0x0  }
0x8d: {  	[sflag:s2] =	ssyncadd.s32 $0xFFFFFE70  }
0x8e: {  	_ =	swait.ge [sflag:s17], $0x1900  }
0x8f: {  	[sflag:s17] =	ssyncset.done $0x0  }
0x90: {  	[sflag:s17] =	ssyncadd.s32 $0xFFFFE700  }
0x91: {  	[spmem:s3] =	stream.indirect.scatter.add.f32 [tilespmem:s14], [sflag:$0x3], $0x10, s12, s10, $0xb8;
	[tilespmem:$0x1EF50] =	vst v63  }
0x92: {  	_ =	swait.ge [sflag:s2], $0x1900  }
0x93: {  	[sflag:s2] =	ssyncset.done $0x0  }
0x94: {  	[sflag:s2] =	ssyncadd.s32 $0xFFFFE700  }
0x95: {  	[spmem:s4] =	stream.indirect.scatter.add.f32 [tilespmem:s6], [sflag:$0x3], $0x1, s12, s10, $0xb8;
	[tilespmem:$0x1EF50] =	vst v63  }
0x96: {  	s1 =	simm.s32 $0x1EC30;
	_ =	swait.ge [sflag:s2], $0x190  }
0x97: {  	s29 =	simm.s32 $0x1F4;
	s28 =	simm.s32 $0xFA;
	[sflag:s2] =	ssyncset.done $0x0  }
.LBB2_2:
0x98: {  	s31 =	sadd.s32 s28, s24  }
0x99: {  	[sflag:s2] =	ssyncadd.s32 $0xFFFFFE70;
	s9 =	smov.u32 s29;
	s30 =	sadd.s32 $0xFA, s29  }
0x9a: {  	[tilespmem:s7], [sflag:$0x3] =	stream.linear.gather [hbm4b:s31+s5], $0x7D0, $0x38;
	[tilespmem:$0x1EF50] =	vst v63  }
0x9b: {  	p0 =	sne.s32 s29, $0x1770;
	_ =	swait.ge [sflag:s2], $0x7D0  }
0x9c: {  	[sflag:s2] =	ssyncset.done $0x0  }
0x9d: {  	s29 =	sadd.s32 s28, s25;
	s28 =	smov.u32 s9;
	[sflag:s2] =	ssyncadd.s32 $0xFFFFF830  }
0x9e: {  	[tilespmem:s8], [sflag:$0x3] =	stream.linear.gather [hbm4b:s29+s5], $0x7D0, $0x38;
	[tilespmem:$0x1EF50] =	vst v63  }
0x9f: {  	_ =	swait.ge [sflag:s2], $0x7D0  }
0xa0: {  	[sflag:s2] =	ssyncset.done $0x0  }
0xa1: {  	[sflag:s2] =	ssyncadd.s32 $0xFFFFF830  }
0xa2: {  	[tilespmem:s14], [sflag:$0x1] =	stream.indirect.gather [hbm4b:s0+s10], $0x10, s7, s10, $0xb8;
	[tilespmem:$0x1EF50] =	vst v63  }
0xa3: {  	_ = 	snop  }
0xa4: {  	[tilespmem:s16], [sflag:$0x2] =	stream.indirect.gather [hbm4b:s0+s10], $0x10, s15, s10, $0xb8;
	[tilespmem:$0x1EF50] =	vst v63  }
0xa5: {  	_ =	swait.ge [sflag:s17], $0x1900  }
0xa6: {  	[sflag:s17] =	ssyncset.done $0x0  }
0xa7: {  	[sflag:s17] =	ssyncadd.s32 $0xFFFFE700  }
0xa8: {  	[spmem:s3] =	stream.indirect.scatter.add.f32 [tilespmem:s14], [sflag:$0x3], $0x10, s8, s10, $0xb8;
	[tilespmem:$0x1EF50] =	vst v63  }
0xa9: {  	_ =	swait.ge [sflag:s2], $0x1900  }
0xaa: {  	[sflag:s2] =	ssyncset.done $0x0  }
0xab: {  	[sflag:s2] =	ssyncadd.s32 $0xFFFFE700  }
0xac: {  	[spmem:s4] =	stream.indirect.scatter.add.f32 [tilespmem:s6], [sflag:$0x3], $0x1, s8, s10, $0xb8;
	[tilespmem:$0x1EF50] =	vst v63  }
0xad: {  	_ =	swait.ge [sflag:s2], $0x190  }
0xae: {  	[sflag:s2] =	ssyncset.done $0x0  }
0xaf: {  	[sflag:s2] =	ssyncadd.s32 $0xFFFFFE70  }
0xb0: {  	[tilespmem:s14], [sflag:$0x1] =	stream.indirect.gather [hbm4b:s0+s10], $0x10, s18, s10, $0xb8;
	[tilespmem:$0x1EF50] =	vst v63  }
0xb1: {  	_ =	swait.ge [sflag:s19], $0x1900  }
0xb2: {  	[sflag:s19] =	ssyncset.done $0x0  }
0xb3: {  	[sflag:s19] =	ssyncadd.s32 $0xFFFFE700  }
0xb4: {  	[spmem:s3] =	stream.indirect.scatter.add.f32 [tilespmem:s16], [sflag:$0x3], $0x10, s20, s10, $0xb8;
	[tilespmem:$0x1EF50] =	vst v63  }
0xb5: {  	_ =	swait.ge [sflag:s2], $0x1900  }
0xb6: {  	[sflag:s2] =	ssyncset.done $0x0  }
0xb7: {  	[sflag:s2] =	ssyncadd.s32 $0xFFFFE700  }
0xb8: {  	[spmem:s4] =	stream.indirect.scatter.add.f32 [tilespmem:s6], [sflag:$0x3], $0x1, s20, s10, $0xb8;
	[tilespmem:$0x1EF50] =	vst v63  }
0xb9: {  	_ =	swait.ge [sflag:s2], $0x190  }
0xba: {  	[sflag:s2] =	ssyncset.done $0x0  }
0xbb: {  	[sflag:s2] =	ssyncadd.s32 $0xFFFFFE70  }
0xbc: {  	[tilespmem:s16], [sflag:$0x2] =	stream.indirect.gather [hbm4b:s0+s10], $0x10, s21, s10, $0xb8;
	[tilespmem:$0x1EF50] =	vst v63  }
0xbd: {  	_ =	swait.ge [sflag:s17], $0x1900  }
0xbe: {  	[sflag:s17] =	ssyncset.done $0x0  }
0xbf: {  	[sflag:s17] =	ssyncadd.s32 $0xFFFFE700  }
0xc0: {  	[spmem:s3] =	stream.indirect.scatter.add.f32 [tilespmem:s14], [sflag:$0x3], $0x10, s22, s10, $0xb8;
	[tilespmem:$0x1EF50] =	vst v63  }
0xc1: {  	_ =	swait.ge [sflag:s2], $0x1900  }
0xc2: {  	[sflag:s2] =	ssyncset.done $0x0  }
0xc3: {  	[sflag:s2] =	ssyncadd.s32 $0xFFFFE700  }
0xc4: {  	[spmem:s4] =	stream.indirect.scatter.add.f32 [tilespmem:s6], [sflag:$0x3], $0x1, s22, s10, $0xb8;
	[tilespmem:$0x1EF50] =	vst v63  }
0xc5: {  	_ =	swait.ge [sflag:s2], $0x190  }
0xc6: {  	[sflag:s2] =	ssyncset.done $0x0  }
0xc7: {  	[sflag:s2] =	ssyncadd.s32 $0xFFFFFE70  }
0xc8: {  	[tilespmem:s14], [sflag:$0x1] =	stream.indirect.gather [hbm4b:s0+s10], $0x10, s23, s10, $0xb8;
	[tilespmem:$0x1EF50] =	vst v63  }
0xc9: {  	_ =	swait.ge [sflag:s19], $0x1900  }
0xca: {  	[sflag:s19] =	ssyncset.done $0x0  }
0xcb: {  	[sflag:s19] =	ssyncadd.s32 $0xFFFFE700  }
0xcc: {  	[spmem:s3] =	stream.indirect.scatter.add.f32 [tilespmem:s16], [sflag:$0x3], $0x10, s11, s10, $0xb8;
	[tilespmem:$0x1EF50] =	vst v63  }
0xcd: {  	_ =	swait.ge [sflag:s2], $0x1900  }
0xce: {  	[sflag:s2] =	ssyncset.done $0x0  }
0xcf: {  	[sflag:s2] =	ssyncadd.s32 $0xFFFFE700  }
0xd0: {  	[spmem:s4] =	stream.indirect.scatter.add.f32 [tilespmem:s6], [sflag:$0x3], $0x1, s11, s10, $0xb8;
	[tilespmem:$0x1EF50] =	vst v63  }
0xd1: {  	_ =	swait.ge [sflag:s2], $0x190  }
0xd2: {  	[sflag:s2] =	ssyncset.done $0x0  }
0xd3: {  	[sflag:s2] =	ssyncadd.s32 $0xFFFFFE70  }
0xd4: {  	_ =	swait.ge [sflag:s17], $0x1900  }
0xd5: {  	[sflag:s17] =	ssyncset.done $0x0  }
0xd6: {  	[sflag:s17] =	ssyncadd.s32 $0xFFFFE700  }
0xd7: {  	[spmem:s3] =	stream.indirect.scatter.add.f32 [tilespmem:s14], [sflag:$0x3], $0x10, s12, s10, $0xb8;
	[tilespmem:$0x1EF50] =	vst v63  }
0xd8: {  	_ =	swait.ge [sflag:s2], $0x1900  }
.Ltmp0:
0xd9: {  	[sflag:s2] =	ssyncset.done $0x0;
	(pc) =	sbr.rel @p0 .LBB2_2-.Ltmp0, $4  }
0xda: {  	[sflag:s2] =	ssyncadd.s32 $0xFFFFE700  }
0xdb: {  	[spmem:s4] =	stream.indirect.scatter.add.f32 [tilespmem:s6], [sflag:$0x3], $0x1, s12, s10, $0xb8;
	[tilespmem:$0x1EF50] =	vst v63  }
0xdc: {  	_ =	swait.ge [sflag:s2], $0x190  }
0xdd: {  	s29 =	smov.u32 s30;
	[sflag:s2] =	ssyncset.done $0x0  }
0xde: {  	s9 =	sadd.s32 s28, s24;
	[sflag:s2] =	ssyncadd.s32 $0xFFFFFE70  }
0xdf: {  	[tilespmem:s7], [sflag:$0x3] =	stream.linear.gather [hbm4b:s9+s5], $0x7D0, $0x38;
	[tilespmem:$0x1EF50] =	vst v63  }
0xe0: {  	_ =	swait.ge [sflag:s2], $0x7D0  }
0xe1: {  	[sflag:s2] =	ssyncset.done $0x0  }
0xe2: {  	s26 =	sadd.s32 s28, s25;
	[sflag:s2] =	ssyncadd.s32 $0xFFFFF830  }
0xe3: {  	[tilespmem:s8], [sflag:$0x3] =	stream.linear.gather [hbm4b:s26+s5], $0x7D0, $0x38;
	[tilespmem:$0x1EF50] =	vst v63  }
0xe4: {  	_ =	swait.ge [sflag:s2], $0x7D0  }
0xe5: {  	[sflag:s2] =	ssyncset.done $0x0  }
0xe6: {  	[sflag:s2] =	ssyncadd.s32 $0xFFFFF830  }
0xe7: {  	[tilespmem:s14], [sflag:$0x1] =	stream.indirect.gather [hbm4b:s0+s10], $0x10, s7, s10, $0xb8;
	[tilespmem:$0x1EF50] =	vst v63  }
0xe8: {  	_ = 	snop  }
0xe9: {  	[tilespmem:s16], [sflag:$0x2] =	stream.indirect.gather [hbm4b:s0+s10], $0x10, s15, s10, $0xb8;
	[tilespmem:$0x1EF50] =	vst v63  }
0xea: {  	_ =	swait.ge [sflag:s17], $0x1900  }
0xeb: {  	[sflag:s17] =	ssyncset.done $0x0  }
0xec: {  	[sflag:s17] =	ssyncadd.s32 $0xFFFFE700  }
0xed: {  	[spmem:s3] =	stream.indirect.scatter.add.f32 [tilespmem:s14], [sflag:$0x3], $0x10, s8, s10, $0xb8;
	[tilespmem:$0x1EF50] =	vst v63  }
0xee: {  	_ =	swait.ge [sflag:s2], $0x1900  }
0xef: {  	[sflag:s2] =	ssyncset.done $0x0  }
0xf0: {  	[sflag:s2] =	ssyncadd.s32 $0xFFFFE700  }
0xf1: {  	[spmem:s4] =	stream.indirect.scatter.add.f32 [tilespmem:s6], [sflag:$0x3], $0x1, s8, s10, $0xb8;
	[tilespmem:$0x1EF50] =	vst v63  }
0xf2: {  	_ =	swait.ge [sflag:s2], $0x190  }
0xf3: {  	[sflag:s2] =	ssyncset.done $0x0  }
0xf4: {  	[sflag:s2] =	ssyncadd.s32 $0xFFFFFE70  }
0xf5: {  	[tilespmem:s14], [sflag:$0x1] =	stream.indirect.gather [hbm4b:s0+s10], $0x10, s18, s10, $0xb8;
	[tilespmem:$0x1EF50] =	vst v63  }
0xf6: {  	_ =	swait.ge [sflag:s19], $0x1900  }
0xf7: {  	[sflag:s19] =	ssyncset.done $0x0  }
0xf8: {  	[sflag:s19] =	ssyncadd.s32 $0xFFFFE700  }
0xf9: {  	[spmem:s3] =	stream.indirect.scatter.add.f32 [tilespmem:s16], [sflag:$0x3], $0x10, s20, s10, $0xb8;
	[tilespmem:$0x1EF50] =	vst v63  }
0xfa: {  	_ =	swait.ge [sflag:s2], $0x1900  }
0xfb: {  	[sflag:s2] =	ssyncset.done $0x0  }
0xfc: {  	[sflag:s2] =	ssyncadd.s32 $0xFFFFE700  }
0xfd: {  	[spmem:s4] =	stream.indirect.scatter.add.f32 [tilespmem:s6], [sflag:$0x3], $0x1, s20, s10, $0xb8;
	[tilespmem:$0x1EF50] =	vst v63  }
0xfe: {  	_ =	swait.ge [sflag:s2], $0x190  }
0xff: {  	[sflag:s2] =	ssyncset.done $0x0  }
0x100: {  	[sflag:s2] =	ssyncadd.s32 $0xFFFFFE70  }
0x101: {  	[tilespmem:s16], [sflag:$0x2] =	stream.indirect.gather [hbm4b:s0+s10], $0x10, s21, s10, $0xb8;
	[tilespmem:$0x1EF50] =	vst v63  }
0x102: {  	_ =	swait.ge [sflag:s17], $0x1900  }
0x103: {  	[sflag:s17] =	ssyncset.done $0x0  }
0x104: {  	[sflag:s17] =	ssyncadd.s32 $0xFFFFE700  }
0x105: {  	[spmem:s3] =	stream.indirect.scatter.add.f32 [tilespmem:s14], [sflag:$0x3], $0x10, s22, s10, $0xb8;
	[tilespmem:$0x1EF50] =	vst v63  }
0x106: {  	_ =	swait.ge [sflag:s2], $0x1900  }
0x107: {  	[sflag:s2] =	ssyncset.done $0x0  }
0x108: {  	[sflag:s2] =	ssyncadd.s32 $0xFFFFE700  }
0x109: {  	[spmem:s4] =	stream.indirect.scatter.add.f32 [tilespmem:s6], [sflag:$0x3], $0x1, s22, s10, $0xb8;
	[tilespmem:$0x1EF50] =	vst v63  }
0x10a: {  	_ =	swait.ge [sflag:s2], $0x190  }
0x10b: {  	[sflag:s2] =	ssyncset.done $0x0  }
0x10c: {  	[sflag:s2] =	ssyncadd.s32 $0xFFFFFE70  }
0x10d: {  	[tilespmem:s14], [sflag:$0x1] =	stream.indirect.gather [hbm4b:s0+s10], $0x10, s23, s10, $0xb8;
	[tilespmem:$0x1EF50] =	vst v63  }
0x10e: {  	_ =	swait.ge [sflag:s19], $0x1900  }
0x10f: {  	[sflag:s19] =	ssyncset.done $0x0  }
0x110: {  	[sflag:s19] =	ssyncadd.s32 $0xFFFFE700  }
0x111: {  	[spmem:s3] =	stream.indirect.scatter.add.f32 [tilespmem:s16], [sflag:$0x3], $0x10, s11, s10, $0xb8;
	[tilespmem:$0x1EF50] =	vst v63  }
0x112: {  	_ =	swait.ge [sflag:s2], $0x1900  }
0x113: {  	[sflag:s2] =	ssyncset.done $0x0  }
0x114: {  	[sflag:s2] =	ssyncadd.s32 $0xFFFFE700  }
0x115: {  	[spmem:s4] =	stream.indirect.scatter.add.f32 [tilespmem:s6], [sflag:$0x3], $0x1, s11, s10, $0xb8;
	[tilespmem:$0x1EF50] =	vst v63  }
0x116: {  	_ =	swait.ge [sflag:s2], $0x190  }
0x117: {  	[sflag:s2] =	ssyncset.done $0x0  }
0x118: {  	[sflag:s2] =	ssyncadd.s32 $0xFFFFFE70  }
0x119: {  	_ =	swait.ge [sflag:s17], $0x1900  }
0x11a: {  	[sflag:s17] =	ssyncset.done $0x0  }
0x11b: {  	[sflag:s17] =	ssyncadd.s32 $0xFFFFE700  }
0x11c: {  	[spmem:s3] =	stream.indirect.scatter.add.f32 [tilespmem:s14], [sflag:$0x3], $0x10, s12, s10, $0xb8;
	[tilespmem:$0x1EF50] =	vst v63  }
0x11d: {  	_ =	swait.ge [sflag:s2], $0x1900  }
0x11e: {  	[sflag:s2] =	ssyncset.done $0x0  }
0x11f: {  	[sflag:s2] =	ssyncadd.s32 $0xFFFFE700  }
0x120: {  	[spmem:s4] =	stream.indirect.scatter.add.f32 [tilespmem:s6], [sflag:$0x3], $0x1, s12, s10, $0xb8;
	[tilespmem:$0x1EF50] =	vst v63  }
0x121: {  	_ =	swait.ge [sflag:s2], $0x190  }
0x122: {  	[sflag:s2] =	ssyncset.done $0x0  }
0x123: {  	[sflag:s2] =	ssyncadd.s32 $0xFFFFFE70  }
0x124: {  	[bflag:$0x0] =	sbarrier.arrive $0xFFFF  }
0x125: {  	s26 =	rddreg [dreg:$0xa]  }
0x126: {  	s31 =	rddreg [dreg:$0xd]  }
0x127: {  	s13 =	rddreg [dreg:$0x1d]  }
0x128: {  	[hbm:s31], [sflag:s26] =	dma.local [spmem:s13], $0x3200  }
0x129: {  	_ =	swait.ge [sflag:s2], $0x3200  }
0x12a: {  	[sflag:s2] =	ssyncset.done $0x0  }
0x12b: {  	s31 =	rddreg [dreg:$0x8];
	[sflag:s2] =	ssyncadd.s32 $0xFFFFCE00  }
0x12c: {  	[tilespmem:s1], [sflag:$0x3] =	stream.linear.gather [spmem:s31], $0x320, $0x38;
	[tilespmem:$0x1EF50] =	vst v63  }
0x12d: {  	_ =	swait.ge [sflag:s2], $0x320  }
0x12e: {  	[sflag:s2] =	ssyncset.done $0x0  }
0x12f: {  	s13 =	rddreg [dreg:$0xe];
	[sflag:s2] =	ssyncadd.s32 $0xFFFFFCE0  }
0x130: {  	[hbm4b:s13+s5] =	stream.linear.scatter [tilespmem:s1], [sflag:$0x3], $0x320, $0x38;
	[tilespmem:$0x1EF50] =	vst v63  }
0x131: {  	_ =	swait.ge [sflag:s2], $0x320  }
0x132: {  	[sflag:s2] =	ssyncset.done $0x0  }
0x133: {  	s13 =	rddreg [dreg:$0xb];
	[sflag:s2] =	ssyncadd.s32 $0xFFFFFCE0  }
0x134: {  	[tilespmem:s1], [sflag:$0x3] =	stream.linear.gather [spmem:s13], $0x320, $0x38;
	[tilespmem:$0x1EF50] =	vst v63  }
0x135: {  	_ =	swait.ge [sflag:s2], $0x320  }
0x136: {  	[sflag:s2] =	ssyncset.done $0x0  }
0x137: {  	s26 =	rddreg [dreg:$0xf];
	[sflag:s2] =	ssyncadd.s32 $0xFFFFFCE0  }
0x138: {  	[hbm4b:s26+s5] =	stream.linear.scatter [tilespmem:s1], [sflag:$0x3], $0x320, $0x38;
	[tilespmem:$0x1EF50] =	vst v63  }
0x139: {  	_ =	swait.ge [sflag:s2], $0x320  }
0x13a: {  	[sflag:s2] =	ssyncset.done $0x0  }
0x13b: {  	s31 =	rddreg [dreg:$0xc];
	[sflag:s2] =	ssyncadd.s32 $0xFFFFFCE0  }
0x13c: {  	[tilespmem:s1], [sflag:$0x3] =	stream.linear.gather [spmem:s31], $0x320, $0x38;
	[tilespmem:$0x1EF50] =	vst v63  }
0x13d: {  	_ =	swait.ge [sflag:s2], $0x320  }
0x13e: {  	[sflag:s2] =	ssyncset.done $0x0  }
0x13f: {  	s26 =	rddreg [dreg:$0x10];
	[sflag:s2] =	ssyncadd.s32 $0xFFFFFCE0  }
0x140: {  	[hbm4b:s26+s5] =	stream.linear.scatter [tilespmem:s1], [sflag:$0x3], $0x320, $0x38;
	[tilespmem:$0x1EF50] =	vst v63  }
0x141: {  	_ =	swait.ge [sflag:s2], $0x320  }
0x142: {  	[sflag:s2] =	ssyncset.done $0x0  }
0x143: {  	s26 =	rddreg [dreg:$0x17];
	[sflag:s2] =	ssyncadd.s32 $0xFFFFFCE0  }
0x144: {  	[tilespmem:s1], [sflag:$0x3] =	stream.linear.gather [spmem:s26], $0x320, $0x38;
	[tilespmem:$0x1EF50] =	vst v63  }
0x145: {  	_ =	swait.ge [sflag:s2], $0x320  }
0x146: {  	[sflag:s2] =	ssyncset.done $0x0  }
0x147: {  	s31 =	rddreg [dreg:$0x11];
	[sflag:s2] =	ssyncadd.s32 $0xFFFFFCE0  }
0x148: {  	[hbm4b:s31+s5] =	stream.linear.scatter [tilespmem:s1], [sflag:$0x3], $0x320, $0x38;
	[tilespmem:$0x1EF50] =	vst v63  }
0x149: {  	_ =	swait.ge [sflag:s2], $0x320  }
0x14a: {  	[sflag:s2] =	ssyncset.done $0x0  }
0x14b: {  	s31 =	rddreg [dreg:$0x18];
	[sflag:s2] =	ssyncadd.s32 $0xFFFFFCE0  }
0x14c: {  	[tilespmem:s1], [sflag:$0x3] =	stream.linear.gather [spmem:s31], $0x320, $0x38;
	[tilespmem:$0x1EF50] =	vst v63  }
0x14d: {  	_ =	swait.ge [sflag:s2], $0x320  }
0x14e: {  	[sflag:s2] =	ssyncset.done $0x0  }
0x14f: {  	s31 =	rddreg [dreg:$0x12];
	[sflag:s2] =	ssyncadd.s32 $0xFFFFFCE0  }
0x150: {  	[hbm4b:s31+s5] =	stream.linear.scatter [tilespmem:s1], [sflag:$0x3], $0x320, $0x38;
	[tilespmem:$0x1EF50] =	vst v63  }
0x151: {  	_ =	swait.ge [sflag:s2], $0x320  }
0x152: {  	[sflag:s2] =	ssyncset.done $0x0  }
0x153: {  	s30 =	simm.s32 $0x1EC30;
	s9 =	rddreg [dreg:$0x19];
	[sflag:s2] =	ssyncadd.s32 $0xFFFFFCE0  }
0x154: {  	[tilespmem:s30], [sflag:$0x3] =	stream.linear.gather [spmem:s9], $0x320, $0x38;
	[tilespmem:$0x1EF50] =	vst v63  }
0x155: {  	_ =	swait.ge [sflag:s2], $0x320  }
0x156: {  	[sflag:s2] =	ssyncset.done $0x0  }
0x157: {  	s31 =	rddreg [dreg:$0x13];
	[sflag:s2] =	ssyncadd.s32 $0xFFFFFCE0  }
0x158: {  	[hbm4b:s31+s5] =	stream.linear.scatter [tilespmem:s30], [sflag:$0x3], $0x320, $0x38;
	[tilespmem:$0x1EF50] =	vst v63  }
0x159: {  	_ =	swait.ge [sflag:s2], $0x320  }
0x15a: {  	[sflag:s2] =	ssyncset.done $0x0  }
0x15b: {  	s28 =	rddreg [dreg:$0x1a];
	[sflag:s2] =	ssyncadd.s32 $0xFFFFFCE0  }
0x15c: {  	[tilespmem:s30], [sflag:$0x3] =	stream.linear.gather [spmem:s28], $0x320, $0x38;
	[tilespmem:$0x1EF50] =	vst v63  }
0x15d: {  	_ =	swait.ge [sflag:s2], $0x320  }
0x15e: {  	[sflag:s2] =	ssyncset.done $0x0  }
0x15f: {  	s1 =	rddreg [dreg:$0x14];
	[sflag:s2] =	ssyncadd.s32 $0xFFFFFCE0  }
0x160: {  	[hbm4b:s1+s5] =	stream.linear.scatter [tilespmem:s30], [sflag:$0x3], $0x320, $0x38;
	[tilespmem:$0x1EF50] =	vst v63  }
0x161: {  	_ =	swait.ge [sflag:s2], $0x320  }
0x162: {  	[sflag:s2] =	ssyncset.done $0x0  }
0x163: {  	s29 =	rddreg [dreg:$0x1b];
	[sflag:s2] =	ssyncadd.s32 $0xFFFFFCE0  }
0x164: {  	[tilespmem:s30], [sflag:$0x3] =	stream.linear.gather [spmem:s29], $0x320, $0x38;
	[tilespmem:$0x1EF50] =	vst v63  }
0x165: {  	_ =	swait.ge [sflag:s2], $0x320  }
0x166: {  	[sflag:s2] =	ssyncset.done $0x0  }
0x167: {  	s31 =	rddreg [dreg:$0x15];
	[sflag:s2] =	ssyncadd.s32 $0xFFFFFCE0  }
0x168: {  	[hbm4b:s31+s5] =	stream.linear.scatter [tilespmem:s30], [sflag:$0x3], $0x320, $0x38;
	[tilespmem:$0x1EF50] =	vst v63  }
0x169: {  	_ =	swait.ge [sflag:s2], $0x320  }
0x16a: {  	s31 =	rddreg [dreg:$0x1c]  }
0x16b: {  	s1 =	rddreg [dreg:$0x16];
	s31 =	sadd.s32 $0x1, s31  }
0x16c: {  	p0 =	sne.s32 s31, s1  }
.Ltmp1:
0x16d: {  	_ = 	snop;
	(pc) =	sbr.rel @p0 .LBB2_1-.Ltmp1, $3  }
0x16e: {  	_ =	sdelay $0x1  }
0x16f: {  	[sflag:s2] =	ssyncset.done $0x0  }
0x170: {  	[sflag:s2] =	ssyncadd.s32 $0xFFFFFCE0;
	[dreg:$0x1c] =	wrdreg s31  }
0x171: {  	_ =	sfence.sel $0x180000  }
0x172: {  	[bflag:$0x0] =	sbarrier.arrive $0xFFFF  }
0x173: {  	_ =	strace $0x90000047  }
0x174: {  	s0 =	stileid.u32;
	[bflag:$0x2] =	sbarrier.arrive $0xFFFF  }
0x175: {  	p0 =	sne.s32 s0, $0x0;
	s0 =	rddreg [dreg:$0x4]  }
0x176: {  	s0 =	sadd.s32 @!p0 $0x100000, s0  }
0x177: {  	[sflag:s0] =	ssyncadd.tile.s32 @!p0 $0x1;
	_ =	shalt  }
.Lfunc_end2:
_tile_overlayer_lowered:
.L_overlay_start_2:
0x178: {  	(tag) =	ssettag $0x2  }
0x179: {  	s0 =	rddreg [dreg:$0x0];
	s2 =	stileid.u32  }
0x17a: {  	s1 =	rddreg [dreg:$0x1];
	p0 =	sne.s32 s2, $0x0  }
0x17b: {  	s3 =	rddreg [dreg:$0x2];
	[bflag:$0x3] =	sbarrier.arrive $0xFFFF;
	s2 =	simm.s32 @!p0 $0x1C03  }
0x17c: {  	[timem:s3], [sflag:s2] =	dma.local @!p0 [hbm:s0], s1  }
0x17d: {  	s0 =	simm.s32 @!p0 $0x3  }
0x17e: {  	_ =	swait.ge @!p0 [sflag:s0], s1  }
0x17f: {  	s1 =	ssub.s32 @!p0 $0x0, s1;
	[sflag:s0] =	ssyncset.done @!p0 $0x0  }
0x180: {  	[sflag:s0] =	ssyncadd.s32 @!p0 s1  }
0x181: {  	[bflag:$0x3] =	sbarrier.arrive $0xFFFF  }
0x182: {  	_ =	shalt  }

</sc_bundles>
